<compile_context>
chip_gen: v7x
topology: tpu7x:2x2x1
jax: 0.10.2.dev20260603
libtpu: 0.0.44.dev20260713+nightly
codegen_flags: <defaults>
</compile_context>

<pallas_src>
import functools

import jax
import jax.numpy as jnp
from jax import lax
from jax.experimental import pallas as pl
from jax.experimental.pallas import tpu as pltpu
from jax.experimental.pallas import tpu_sc as plsc

N = 10000
D = 128
NPAD = 10240
NC = 2
NS = 16
NW = NC * NS
CH = 128
E = 320000
EPW = 10240
E_PAD = EPW * NW
NCHUNK = EPW // CH
ROWS_PER_TILE = NPAD // NS

_MESH = plsc.VectorSubcoreMesh(core_axis_name="c", subcore_axis_name="s")


@functools.partial(
    pl.kernel,
    out_type=jax.ShapeDtypeStruct((NC, 2, NPAD), jnp.float32),
    mesh=_MESH,
    scratch_types=[
        pltpu.VMEM_SHARED((NPAD,), jnp.float32),
        pltpu.VMEM_SHARED((NPAD,), jnp.float32),
        pltpu.VMEM((NCHUNK, CH), jnp.int32),
        pltpu.VMEM((NCHUNK, CH), jnp.int32),
        pltpu.VMEM((CH,), jnp.float32),
        pltpu.VMEM((ROWS_PER_TILE,), jnp.float32),
        pltpu.SemaphoreType.DMA,
        pltpu.SemaphoreType.DMA,
    ],
)
def _deg(src_hbm, dst_hbm, degp_hbm, dego_sh, degi_sh, isrc_v, idst_v,
         ones_v, zd_v, semo, semi):
    c = lax.axis_index("c")
    s = lax.axis_index("s")
    wid = c * NS + s

    def fill(i, _):
        zd_v[pl.ds(i * 16, 16)] = jnp.zeros((16,), jnp.float32)
        return 0

    lax.fori_loop(0, ROWS_PER_TILE // 16, fill, 0)
    for j in range(CH // 16):
        ones_v[pl.ds(j * 16, 16)] = jnp.ones((16,), jnp.float32)

    stripe = pl.ds(s * ROWS_PER_TILE, ROWS_PER_TILE)
    pltpu.sync_copy(src_hbm.at[wid], isrc_v)
    pltpu.sync_copy(dst_hbm.at[wid], idst_v)
    pltpu.sync_copy(zd_v, dego_sh.at[stripe])
    pltpu.sync_copy(zd_v, degi_sh.at[stripe])
    plsc.subcore_barrier()

    def body(g, _):
        pltpu.async_copy(ones_v, dego_sh.at[isrc_v.at[g]], semo, add=True)
        pltpu.async_copy(ones_v, degi_sh.at[idst_v.at[g]], semi, add=True)
        return 0

    lax.fori_loop(0, NCHUNK, body, 0)

    def drain(g, _):
        pltpu.make_async_copy(ones_v, dego_sh.at[pl.ds(0, CH)], semo).wait()
        pltpu.make_async_copy(ones_v, degi_sh.at[pl.ds(0, CH)], semi).wait()
        return 0

    lax.fori_loop(0, NCHUNK, drain, 0)
    plsc.subcore_barrier()

    pltpu.sync_copy(dego_sh.at[stripe], degp_hbm.at[c, 0, stripe])
    pltpu.sync_copy(degi_sh.at[stripe], degp_hbm.at[c, 1, stripe])


@functools.partial(
    pl.kernel,
    out_type=jax.ShapeDtypeStruct((NC, NPAD, D), jnp.float32),
    mesh=_MESH,
    scratch_types=[
        pltpu.VMEM_SHARED((NPAD, D), jnp.float32),
        pltpu.VMEM((NCHUNK, CH), jnp.int32),
        [pltpu.VMEM((CH,), jnp.int32) for _ in range(2)],
        [pltpu.VMEM((CH, D), jnp.float32) for _ in range(2)],
        [pltpu.SemaphoreType.DMA for _ in range(2)],
        [pltpu.SemaphoreType.DMA for _ in range(2)],
    ],
)
def _agg(h_hbm, src_hbm, dst_hbm, agg_hbm, agg_sh, idst_v, isrc, bufs,
         gsem, ssem):
    c = lax.axis_index("c")
    s = lax.axis_index("s")
    wid = c * NS + s

    pltpu.sync_copy(dst_hbm.at[wid], idst_v)

    def fill(i, _):
        for j in range(D // 16):
            bufs[0][i, pl.ds(j * 16, 16)] = jnp.zeros((16,), jnp.float32)
        return 0

    lax.fori_loop(0, CH, fill, 0)
    for k in range(ROWS_PER_TILE // CH):
        pltpu.sync_copy(
            bufs[0], agg_sh.at[pl.ds(s * ROWS_PER_TILE + k * CH, CH)]
        )

    def idxload(g, b):
        pltpu.sync_copy(src_hbm.at[wid, g], isrc[b])

    def gather(g, b):
        pltpu.async_copy(h_hbm.at[isrc[b]], bufs[b], gsem[b])

    def gwait(b):
        pltpu.make_async_copy(h_hbm.at[pl.ds(0, CH)], bufs[b], gsem[b]).wait()

    def swait(b):
        pltpu.make_async_copy(
            bufs[b], agg_sh.at[pl.ds(0, CH)], ssem[b]
        ).wait()

    for b in range(2):
        idxload(b, b)
        gather(b, b)
    plsc.subcore_barrier()

    def body(t, _):
        for b in range(2):
            g = 2 * t + b
            gwait(b)
            pltpu.async_copy(bufs[b], agg_sh.at[idst_v.at[g]], ssem[b],
                             add=True)
            swait(b)

            @pl.when(g + 2 < NCHUNK)
            def _():
                idxload(g + 2, b)
                gather(g + 2, b)

        return 0

    lax.fori_loop(0, NCHUNK // 2, body, 0)
    plsc.subcore_barrier()

    stripe = pl.ds(s * ROWS_PER_TILE, ROWS_PER_TILE)
    pltpu.sync_copy(agg_sh.at[stripe], agg_hbm.at[c, stripe])


def _h2_body(x_ref, w_ref, deg_ref, out_ref):
    norm = lax.rsqrt(jnp.maximum(deg_ref[...], 1.0))
    out_ref[...] = jnp.dot(
        x_ref[...], w_ref[...], preferred_element_type=jnp.float32
    ) * norm[:, None]


def _out_body(agg_ref, deg_ref, b_ref, out_ref):
    a = agg_ref[0] + agg_ref[1]
    norm = lax.rsqrt(jnp.maximum(deg_ref[...], 1.0))
    out_ref[...] = a * norm[:, None] + b_ref[...][None, :]


_BM = 2048


def kernel(x, edge_index, W, b):
    src = edge_index[0].astype(jnp.int32)
    dst = edge_index[1].astype(jnp.int32)
    e = src.shape[0]
    src_f = jnp.concatenate([src, jnp.full((E_PAD - e,), N, jnp.int32)])
    dst_f = jnp.concatenate([dst, jnp.full((E_PAD - e,), NPAD - 1, jnp.int32)])
    src_p = src_f.reshape(NW, NCHUNK, CH)
    dst_p = dst_f.reshape(NW, NCHUNK, CH)
    x_pad = jnp.pad(x, ((0, NPAD - x.shape[0]), (0, 0)))

    degp = _deg(src_p, dst_p)
    deg_out = degp[0, 0] + degp[1, 0]
    deg_in = degp[0, 1] + degp[1, 1]

    h2 = pl.pallas_call(
        _h2_body,
        grid=(NPAD // _BM,),
        in_specs=[
            pl.BlockSpec((_BM, D), lambda i: (i, 0)),
            pl.BlockSpec((D, D), lambda i: (0, 0)),
            pl.BlockSpec((_BM,), lambda i: (i,)),
        ],
        out_specs=pl.BlockSpec((_BM, D), lambda i: (i, 0)),
        out_shape=jax.ShapeDtypeStruct((NPAD, D), jnp.float32),
    )(x_pad, W, deg_out)

    aggp = _agg(h2, src_p, dst_p)

    out = pl.pallas_call(
        _out_body,
        grid=(NPAD // _BM,),
        in_specs=[
            pl.BlockSpec((NC, _BM, D), lambda i: (0, i, 0)),
            pl.BlockSpec((_BM,), lambda i: (i,)),
            pl.BlockSpec((D,), lambda i: (0,)),
        ],
        out_specs=pl.BlockSpec((_BM, D), lambda i: (i, 0)),
        out_shape=jax.ShapeDtypeStruct((NPAD, D), jnp.float32),
    )(aggp, deg_in, b)

    return out[:x.shape[0]]

# --- scband reference (transcript-rebuilt; emitter-appended) ---
"""Pipeline reference for scband-gcnlayer-4612794876142 (READ-ONLY COPY).

The authoritative reference and input builder live on the scoring server;
editing this copy changes nothing except your own understanding.
"""

import jax, jax.numpy as jnp
import numpy as np

N_NODES = 10000
N_EDGES = 320000
IN_FEATS = 128
OUT_FEATS = 128

def setup_inputs(seed: int = 0) -> dict:
    key = jax.random.key(seed)
    k1, k2, k3, k4 = jax.random.split(key, 4)
    x = jax.random.normal(k1, (N_NODES, IN_FEATS), dtype=jnp.float32)
    edge_index = jax.random.randint(k2, (2, N_EDGES), 0, N_NODES, dtype=jnp.int64)
    # Glorot init like dgl GraphConv weight, zeros bias
    limit = float(np.sqrt(6.0 / (IN_FEATS + OUT_FEATS)))
    W = jax.random.uniform(k3, (IN_FEATS, OUT_FEATS), minval=-limit, maxval=limit, dtype=jnp.float32)
    b = jnp.zeros((OUT_FEATS,), dtype=jnp.float32)
    return {"x": x, "edge_index": edge_index, "W": W, "b": b}

def reference(x, edge_index, W, b):
    # Faithful to dgl.nn.GraphConv(norm='both', weight=True, bias=True)
    # out = D_in^{-1/2} A D_out^{-1/2} X W + b
    N = x.shape[0]
    src = edge_index[0]
    dst = edge_index[1]
    ones = jnp.ones((src.shape[0],), dtype=x.dtype)
    deg_out = jnp.zeros((N,), dtype=x.dtype).at[src].add(ones)
    deg_in = jnp.zeros((N,), dtype=x.dtype).at[dst].add(ones)
    norm_src = jnp.power(jnp.clip(deg_out, 1.0), -0.5)
    norm_dst = jnp.power(jnp.clip(deg_in, 1.0), -0.5)
    h = x * norm_src[:, None]
    # in_feats == out_feats: dgl aggregates first, then applies weight (math-equivalent either way)
    msgs = jnp.take(h, src, axis=0)
    agg = jnp.zeros((N, h.shape[1]), dtype=x.dtype).at[dst].add(msgs)
    rst = agg @ W
    rst = rst * norm_dst[:, None]
    rst = rst + b
    return rst

if __name__ == "__main__":
    import jax
    _d = setup_inputs()
    print(jax.jit(kernel)(*tuple(_d.values())))

</pallas_src>

<mosaic_0001>
#map = affine_map<(d0, d1) -> (0, 0)>
#map1 = affine_map<(d0, d1) -> (0, 0, 0)>
module attributes {stable_mosaic.version = 14 : i64} {
  func.func @_agg(%arg0: i32, %arg1: i32, %arg2: memref<10240x128xf32, #tpu.memory_space<hbm>>, %arg3: memref<32x80x128xi32, #tpu.memory_space<hbm>>, %arg4: memref<32x80x128xi32, #tpu.memory_space<hbm>>, %arg5: memref<2x10240x128xf32, #tpu.memory_space<hbm>>, %arg6: memref<10240x128xf32, #tpu.memory_space<vmem_shared>>, %arg7: memref<80x128xi32, #tpu.memory_space<vmem>>, %arg8: memref<128xi32, #tpu.memory_space<vmem>>, %arg9: memref<128xi32, #tpu.memory_space<vmem>>, %arg10: memref<128x128xf32, #tpu.memory_space<vmem>>, %arg11: memref<128x128xf32, #tpu.memory_space<vmem>>, %arg12: memref<!tpu.dma_semaphore, #tpu.memory_space<semaphore_mem>>, %arg13: memref<!tpu.dma_semaphore, #tpu.memory_space<semaphore_mem>>, %arg14: memref<!tpu.dma_semaphore, #tpu.memory_space<semaphore_mem>>, %arg15: memref<!tpu.dma_semaphore, #tpu.memory_space<semaphore_mem>>) attributes {dimension_semantics = [#tpu.dimension_semantics<core_parallel>, #tpu.dimension_semantics<subcore_parallel>], iteration_bounds = array<i64: 2, 16>, scalar_prefetch = 0 : i64, scratch_operands = 10 : i64, tpu.core_type = #tpu.core_type<sc_vector_subcore>, window_params = [{transform_indices = #map}, {transform_indices = #map1}, {transform_indices = #map1}, {transform_indices = #map1}]} {
    %mul3A = arith.constant 16 : i32
    %mul3A_0 = arith.muli %arg0, %mul3A : i32
    %add3A = arith.addi %mul3A_0, %arg1 : i32
    "tpu.region"() ({
      %run_scoped3A_43 = tpu.sem_alloc : memref<!tpu.dma_semaphore, #tpu.memory_space<semaphore_mem>>
      %dma_start3A_44 = arith.constant 0 : i32
      %dma_start3A_45 = arith.constant 0 : i32
      %dma_start3A_46 = tpu.memref_slice %arg4[%add3A, %dma_start3A_44, %dma_start3A_45] : memref<32x80x128xi32, #tpu.memory_space<hbm>> -> memref<1x80x128xi32, #tpu.memory_space<hbm>>
      %dma_start3A_47 = tpu.memref_squeeze %dma_start3A_46 : memref<1x80x128xi32, #tpu.memory_space<hbm>> -> memref<80x128xi32, #tpu.memory_space<hbm>>
      %dma_start3A_48 = arith.constant 0 : i32
      %dma_start3A_49 = arith.constant 0 : i32
      %dma_start3A_50 = tpu.memref_slice %arg4[%add3A, %dma_start3A_48, %dma_start3A_49] : memref<32x80x128xi32, #tpu.memory_space<hbm>> -> memref<1x80x128xi32, #tpu.memory_space<hbm>>
      %dma_start3A_51 = tpu.memref_squeeze %dma_start3A_50 : memref<1x80x128xi32, #tpu.memory_space<hbm>> -> memref<80x128xi32, #tpu.memory_space<hbm>>
      tpu.enqueue_dma source(%dma_start3A_51 : memref<80x128xi32, #tpu.memory_space<hbm>>) target(%arg7 : memref<80x128xi32, #tpu.memory_space<vmem>>) target_semaphore(%run_scoped3A_43 : memref<!tpu.dma_semaphore, #tpu.memory_space<semaphore_mem>>)
      %dma_wait3A = arith.constant 0 : i32
      %dma_wait3A_52 = arith.constant 0 : i32
      %dma_wait3A_53 = tpu.memref_slice %arg4[%add3A, %dma_wait3A, %dma_wait3A_52] : memref<32x80x128xi32, #tpu.memory_space<hbm>> -> memref<1x80x128xi32, #tpu.memory_space<hbm>>
      %dma_wait3A_54 = tpu.memref_squeeze %dma_wait3A_53 : memref<1x80x128xi32, #tpu.memory_space<hbm>> -> memref<80x128xi32, #tpu.memory_space<hbm>>
      %dma_wait3A_55 = arith.constant 0 : i32
      %dma_wait3A_56 = arith.constant 0 : i32
      %dma_wait3A_57 = tpu.memref_slice %arg4[%add3A, %dma_wait3A_55, %dma_wait3A_56] : memref<32x80x128xi32, #tpu.memory_space<hbm>> -> memref<1x80x128xi32, #tpu.memory_space<hbm>>
      %dma_wait3A_58 = tpu.memref_squeeze %dma_wait3A_57 : memref<1x80x128xi32, #tpu.memory_space<hbm>> -> memref<80x128xi32, #tpu.memory_space<hbm>>
      tpu.wait_dma2 semaphore(%run_scoped3A_43 : memref<!tpu.dma_semaphore, #tpu.memory_space<semaphore_mem>>) src(%dma_wait3A_58 : memref<80x128xi32, #tpu.memory_space<hbm>>) dst(%arg7 : memref<80x128xi32, #tpu.memory_space<vmem>>)
      tpu.yield
    }) : () -> ()
    %scan3A = arith.constant 0 : i32
    %scan3A_1 = arith.constant 0 : i32
    %scan3A_2 = arith.constant 128 : i32
    %scan3A_3 = arith.addi %scan3A_1, %scan3A_2 : i32
    %scan3A_4 = arith.constant 1 : i32
    %scan3A_5 = scf.for %scan3A_43 = %scan3A_1 to %scan3A_3 step %scan3A_4 iter_args(%scan3A_44 = %scan3A) -> (i32)  : i32 {
      %broadcast_in_dim3A = arith.constant 0.000000e+00 : f32
      %broadcast_in_dim3A_45 = vector.broadcast %broadcast_in_dim3A : f32 to vector<16xf32>
      %swap3A = arith.index_cast %scan3A_43 : i32 to index
      %swap3A_46 = arith.constant 0 : index
      %swap3A_47 = tpu.vector_load %arg10[%swap3A, %swap3A_46] {strides = array<i32>} : memref<128x128xf32, #tpu.memory_space<vmem>>, vector<1x16xf32>,
      %swap3A_48 = vector.shape_cast %swap3A_47 : vector<1x16xf32> to vector<16xf32>
      %swap3A_49 = vector.shape_cast %broadcast_in_dim3A_45 : vector<16xf32> to vector<1x16xf32>
      tpu.vector_store %arg10[%swap3A, %swap3A_46], %swap3A_49 {strides = array<i32>} : memref<128x128xf32, #tpu.memory_space<vmem>>, vector<1x16xf32>,
      %broadcast_in_dim3A_50 = arith.constant 0.000000e+00 : f32
      %broadcast_in_dim3A_51 = vector.broadcast %broadcast_in_dim3A_50 : f32 to vector<16xf32>
      %swap3A_52 = arith.index_cast %scan3A_43 : i32 to index
      %swap3A_53 = arith.constant 16 : index
      %swap3A_54 = tpu.vector_load %arg10[%swap3A_52, %swap3A_53] {strides = array<i32>} : memref<128x128xf32, #tpu.memory_space<vmem>>, vector<1x16xf32>,
      %swap3A_55 = vector.shape_cast %swap3A_54 : vector<1x16xf32> to vector<16xf32>
      %swap3A_56 = vector.shape_cast %broadcast_in_dim3A_51 : vector<16xf32> to vector<1x16xf32>
      tpu.vector_store %arg10[%swap3A_52, %swap3A_53], %swap3A_56 {strides = array<i32>} : memref<128x128xf32, #tpu.memory_space<vmem>>, vector<1x16xf32>,
      %broadcast_in_dim3A_57 = arith.constant 0.000000e+00 : f32
      %broadcast_in_dim3A_58 = vector.broadcast %broadcast_in_dim3A_57 : f32 to vector<16xf32>
      %swap3A_59 = arith.index_cast %scan3A_43 : i32 to index
      %swap3A_60 = arith.constant 32 : index
      %swap3A_61 = tpu.vector_load %arg10[%swap3A_59, %swap3A_60] {strides = array<i32>} : memref<128x128xf32, #tpu.memory_space<vmem>>, vector<1x16xf32>,
      %swap3A_62 = vector.shape_cast %swap3A_61 : vector<1x16xf32> to vector<16xf32>
      %swap3A_63 = vector.shape_cast %broadcast_in_dim3A_58 : vector<16xf32> to vector<1x16xf32>
      tpu.vector_store %arg10[%swap3A_59, %swap3A_60], %swap3A_63 {strides = array<i32>} : memref<128x128xf32, #tpu.memory_space<vmem>>, vector<1x16xf32>,
      %broadcast_in_dim3A_64 = arith.constant 0.000000e+00 : f32
      %broadcast_in_dim3A_65 = vector.broadcast %broadcast_in_dim3A_64 : f32 to vector<16xf32>
      %swap3A_66 = arith.index_cast %scan3A_43 : i32 to index
      %swap3A_67 = arith.constant 48 : index
      %swap3A_68 = tpu.vector_load %arg10[%swap3A_66, %swap3A_67] {strides = array<i32>} : memref<128x128xf32, #tpu.memory_space<vmem>>, vector<1x16xf32>,
      %swap3A_69 = vector.shape_cast %swap3A_68 : vector<1x16xf32> to vector<16xf32>
      %swap3A_70 = vector.shape_cast %broadcast_in_dim3A_65 : vector<16xf32> to vector<1x16xf32>
      tpu.vector_store %arg10[%swap3A_66, %swap3A_67], %swap3A_70 {strides = array<i32>} : memref<128x128xf32, #tpu.memory_space<vmem>>, vector<1x16xf32>,
      %broadcast_in_dim3A_71 = arith.constant 0.000000e+00 : f32
      %broadcast_in_dim3A_72 = vector.broadcast %broadcast_in_dim3A_71 : f32 to vector<16xf32>
      %swap3A_73 = arith.index_cast %scan3A_43 : i32 to index
      %swap3A_74 = arith.constant 64 : index
      %swap3A_75 = tpu.vector_load %arg10[%swap3A_73, %swap3A_74] {strides = array<i32>} : memref<128x128xf32, #tpu.memory_space<vmem>>, vector<1x16xf32>,
      %swap3A_76 = vector.shape_cast %swap3A_75 : vector<1x16xf32> to vector<16xf32>
      %swap3A_77 = vector.shape_cast %broadcast_in_dim3A_72 : vector<16xf32> to vector<1x16xf32>
      tpu.vector_store %arg10[%swap3A_73, %swap3A_74], %swap3A_77 {strides = array<i32>} : memref<128x128xf32, #tpu.memory_space<vmem>>, vector<1x16xf32>,
      %broadcast_in_dim3A_78 = arith.constant 0.000000e+00 : f32
      %broadcast_in_dim3A_79 = vector.broadcast %broadcast_in_dim3A_78 : f32 to vector<16xf32>
      %swap3A_80 = arith.index_cast %scan3A_43 : i32 to index
      %swap3A_81 = arith.constant 80 : index
      %swap3A_82 = tpu.vector_load %arg10[%swap3A_80, %swap3A_81] {strides = array<i32>} : memref<128x128xf32, #tpu.memory_space<vmem>>, vector<1x16xf32>,
      %swap3A_83 = vector.shape_cast %swap3A_82 : vector<1x16xf32> to vector<16xf32>
      %swap3A_84 = vector.shape_cast %broadcast_in_dim3A_79 : vector<16xf32> to vector<1x16xf32>
      tpu.vector_store %arg10[%swap3A_80, %swap3A_81], %swap3A_84 {strides = array<i32>} : memref<128x128xf32, #tpu.memory_space<vmem>>, vector<1x16xf32>,
      %broadcast_in_dim3A_85 = arith.constant 0.000000e+00 : f32
      %broadcast_in_dim3A_86 = vector.broadcast %broadcast_in_dim3A_85 : f32 to vector<16xf32>
      %swap3A_87 = arith.index_cast %scan3A_43 : i32 to index
      %swap3A_88 = arith.constant 96 : index
      %swap3A_89 = tpu.vector_load %arg10[%swap3A_87, %swap3A_88] {strides = array<i32>} : memref<128x128xf32, #tpu.memory_space<vmem>>, vector<1x16xf32>,
      %swap3A_90 = vector.shape_cast %swap3A_89 : vector<1x16xf32> to vector<16xf32>
      %swap3A_91 = vector.shape_cast %broadcast_in_dim3A_86 : vector<16xf32> to vector<1x16xf32>
      tpu.vector_store %arg10[%swap3A_87, %swap3A_88], %swap3A_91 {strides = array<i32>} : memref<128x128xf32, #tpu.memory_space<vmem>>, vector<1x16xf32>,
      %broadcast_in_dim3A_92 = arith.constant 0.000000e+00 : f32
      %broadcast_in_dim3A_93 = vector.broadcast %broadcast_in_dim3A_92 : f32 to vector<16xf32>
      %swap3A_94 = arith.index_cast %scan3A_43 : i32 to index
      %swap3A_95 = arith.constant 112 : index
      %swap3A_96 = tpu.vector_load %arg10[%swap3A_94, %swap3A_95] {strides = array<i32>} : memref<128x128xf32, #tpu.memory_space<vmem>>, vector<1x16xf32>,
      %swap3A_97 = vector.shape_cast %swap3A_96 : vector<1x16xf32> to vector<16xf32>
      %swap3A_98 = vector.shape_cast %broadcast_in_dim3A_93 : vector<16xf32> to vector<1x16xf32>
      tpu.vector_store %arg10[%swap3A_94, %swap3A_95], %swap3A_98 {strides = array<i32>} : memref<128x128xf32, #tpu.memory_space<vmem>>, vector<1x16xf32>,
      %scan3A_99 = arith.constant 0 : i32
      scf.yield %scan3A_99 : i32
    }
    %scan3A_6 = arith.constant 128 : i32
    %mul3A_7 = arith.constant 640 : i32
    %mul3A_8 = arith.muli %arg1, %mul3A_7 : i32
    %add3A_9 = arith.constant 0 : i32
    %add3A_10 = arith.addi %mul3A_8, %add3A_9 : i32
    "tpu.region"() ({
      %run_scoped3A_43 = tpu.sem_alloc : memref<!tpu.dma_semaphore, #tpu.memory_space<semaphore_mem>>
      %dma_start3A_44 = arith.constant 0 : i32
      %dma_start3A_45 = tpu.memref_slice %arg6[%add3A_10, %dma_start3A_44] : memref<10240x128xf32, #tpu.memory_space<vmem_shared>> -> memref<128x128xf32, #tpu.memory_space<vmem_shared>>
      %dma_start3A_46 = arith.constant 0 : i32
      %dma_start3A_47 = tpu.memref_slice %arg6[%add3A_10, %dma_start3A_46] : memref<10240x128xf32, #tpu.memory_space<vmem_shared>> -> memref<128x128xf32, #tpu.memory_space<vmem_shared>>
      tpu.enqueue_dma source(%arg10 : memref<128x128xf32, #tpu.memory_space<vmem>>) target(%dma_start3A_47 : memref<128x128xf32, #tpu.memory_space<vmem_shared>>) target_semaphore(%run_scoped3A_43 : memref<!tpu.dma_semaphore, #tpu.memory_space<semaphore_mem>>)
      %dma_wait3A = arith.constant 0 : i32
      %dma_wait3A_48 = tpu.memref_slice %arg6[%add3A_10, %dma_wait3A] : memref<10240x128xf32, #tpu.memory_space<vmem_shared>> -> memref<128x128xf32, #tpu.memory_space<vmem_shared>>
      %dma_wait3A_49 = arith.constant 0 : i32
      %dma_wait3A_50 = tpu.memref_slice %arg6[%add3A_10, %dma_wait3A_49] : memref<10240x128xf32, #tpu.memory_space<vmem_shared>> -> memref<128x128xf32, #tpu.memory_space<vmem_shared>>
      tpu.wait_dma2 semaphore(%run_scoped3A_43 : memref<!tpu.dma_semaphore, #tpu.memory_space<semaphore_mem>>) src(%arg10 : memref<128x128xf32, #tpu.memory_space<vmem>>) dst(%dma_wait3A_50 : memref<128x128xf32, #tpu.memory_space<vmem_shared>>)
      tpu.yield
    }) : () -> ()
    %mul3A_11 = arith.constant 640 : i32
    %mul3A_12 = arith.muli %arg1, %mul3A_11 : i32
    %add3A_13 = arith.constant 128 : i32
    %add3A_14 = arith.addi %mul3A_12, %add3A_13 : i32
    "tpu.region"() ({
      %run_scoped3A_43 = tpu.sem_alloc : memref<!tpu.dma_semaphore, #tpu.memory_space<semaphore_mem>>
      %dma_start3A_44 = arith.constant 0 : i32
      %dma_start3A_45 = tpu.memref_slice %arg6[%add3A_14, %dma_start3A_44] : memref<10240x128xf32, #tpu.memory_space<vmem_shared>> -> memref<128x128xf32, #tpu.memory_space<vmem_shared>>
      %dma_start3A_46 = arith.constant 0 : i32
      %dma_start3A_47 = tpu.memref_slice %arg6[%add3A_14, %dma_start3A_46] : memref<10240x128xf32, #tpu.memory_space<vmem_shared>> -> memref<128x128xf32, #tpu.memory_space<vmem_shared>>
      tpu.enqueue_dma source(%arg10 : memref<128x128xf32, #tpu.memory_space<vmem>>) target(%dma_start3A_47 : memref<128x128xf32, #tpu.memory_space<vmem_shared>>) target_semaphore(%run_scoped3A_43 : memref<!tpu.dma_semaphore, #tpu.memory_space<semaphore_mem>>)
      %dma_wait3A = arith.constant 0 : i32
      %dma_wait3A_48 = tpu.memref_slice %arg6[%add3A_14, %dma_wait3A] : memref<10240x128xf32, #tpu.memory_space<vmem_shared>> -> memref<128x128xf32, #tpu.memory_space<vmem_shared>>
      %dma_wait3A_49 = arith.constant 0 : i32
      %dma_wait3A_50 = tpu.memref_slice %arg6[%add3A_14, %dma_wait3A_49] : memref<10240x128xf32, #tpu.memory_space<vmem_shared>> -> memref<128x128xf32, #tpu.memory_space<vmem_shared>>
      tpu.wait_dma2 semaphore(%run_scoped3A_43 : memref<!tpu.dma_semaphore, #tpu.memory_space<semaphore_mem>>) src(%arg10 : memref<128x128xf32, #tpu.memory_space<vmem>>) dst(%dma_wait3A_50 : memref<128x128xf32, #tpu.memory_space<vmem_shared>>)
      tpu.yield
    }) : () -> ()
    %mul3A_15 = arith.constant 640 : i32
    %mul3A_16 = arith.muli %arg1, %mul3A_15 : i32
    %add3A_17 = arith.constant 256 : i32
    %add3A_18 = arith.addi %mul3A_16, %add3A_17 : i32
    "tpu.region"() ({
      %run_scoped3A_43 = tpu.sem_alloc : memref<!tpu.dma_semaphore, #tpu.memory_space<semaphore_mem>>
      %dma_start3A_44 = arith.constant 0 : i32
      %dma_start3A_45 = tpu.memref_slice %arg6[%add3A_18, %dma_start3A_44] : memref<10240x128xf32, #tpu.memory_space<vmem_shared>> -> memref<128x128xf32, #tpu.memory_space<vmem_shared>>
      %dma_start3A_46 = arith.constant 0 : i32
      %dma_start3A_47 = tpu.memref_slice %arg6[%add3A_18, %dma_start3A_46] : memref<10240x128xf32, #tpu.memory_space<vmem_shared>> -> memref<128x128xf32, #tpu.memory_space<vmem_shared>>
      tpu.enqueue_dma source(%arg10 : memref<128x128xf32, #tpu.memory_space<vmem>>) target(%dma_start3A_47 : memref<128x128xf32, #tpu.memory_space<vmem_shared>>) target_semaphore(%run_scoped3A_43 : memref<!tpu.dma_semaphore, #tpu.memory_space<semaphore_mem>>)
      %dma_wait3A = arith.constant 0 : i32
      %dma_wait3A_48 = tpu.memref_slice %arg6[%add3A_18, %dma_wait3A] : memref<10240x128xf32, #tpu.memory_space<vmem_shared>> -> memref<128x128xf32, #tpu.memory_space<vmem_shared>>
      %dma_wait3A_49 = arith.constant 0 : i32
      %dma_wait3A_50 = tpu.memref_slice %arg6[%add3A_18, %dma_wait3A_49] : memref<10240x128xf32, #tpu.memory_space<vmem_shared>> -> memref<128x128xf32, #tpu.memory_space<vmem_shared>>
      tpu.wait_dma2 semaphore(%run_scoped3A_43 : memref<!tpu.dma_semaphore, #tpu.memory_space<semaphore_mem>>) src(%arg10 : memref<128x128xf32, #tpu.memory_space<vmem>>) dst(%dma_wait3A_50 : memref<128x128xf32, #tpu.memory_space<vmem_shared>>)
      tpu.yield
    }) : () -> ()
    %mul3A_19 = arith.constant 640 : i32
    %mul3A_20 = arith.muli %arg1, %mul3A_19 : i32
    %add3A_21 = arith.constant 384 : i32
    %add3A_22 = arith.addi %mul3A_20, %add3A_21 : i32
    "tpu.region"() ({
      %run_scoped3A_43 = tpu.sem_alloc : memref<!tpu.dma_semaphore, #tpu.memory_space<semaphore_mem>>
      %dma_start3A_44 = arith.constant 0 : i32
      %dma_start3A_45 = tpu.memref_slice %arg6[%add3A_22, %dma_start3A_44] : memref<10240x128xf32, #tpu.memory_space<vmem_shared>> -> memref<128x128xf32, #tpu.memory_space<vmem_shared>>
      %dma_start3A_46 = arith.constant 0 : i32
      %dma_start3A_47 = tpu.memref_slice %arg6[%add3A_22, %dma_start3A_46] : memref<10240x128xf32, #tpu.memory_space<vmem_shared>> -> memref<128x128xf32, #tpu.memory_space<vmem_shared>>
      tpu.enqueue_dma source(%arg10 : memref<128x128xf32, #tpu.memory_space<vmem>>) target(%dma_start3A_47 : memref<128x128xf32, #tpu.memory_space<vmem_shared>>) target_semaphore(%run_scoped3A_43 : memref<!tpu.dma_semaphore, #tpu.memory_space<semaphore_mem>>)
      %dma_wait3A = arith.constant 0 : i32
      %dma_wait3A_48 = tpu.memref_slice %arg6[%add3A_22, %dma_wait3A] : memref<10240x128xf32, #tpu.memory_space<vmem_shared>> -> memref<128x128xf32, #tpu.memory_space<vmem_shared>>
      %dma_wait3A_49 = arith.constant 0 : i32
      %dma_wait3A_50 = tpu.memref_slice %arg6[%add3A_22, %dma_wait3A_49] : memref<10240x128xf32, #tpu.memory_space<vmem_shared>> -> memref<128x128xf32, #tpu.memory_space<vmem_shared>>
      tpu.wait_dma2 semaphore(%run_scoped3A_43 : memref<!tpu.dma_semaphore, #tpu.memory_space<semaphore_mem>>) src(%arg10 : memref<128x128xf32, #tpu.memory_space<vmem>>) dst(%dma_wait3A_50 : memref<128x128xf32, #tpu.memory_space<vmem_shared>>)
      tpu.yield
    }) : () -> ()
    %mul3A_23 = arith.constant 640 : i32
    %mul3A_24 = arith.muli %arg1, %mul3A_23 : i32
    %add3A_25 = arith.constant 512 : i32
    %add3A_26 = arith.addi %mul3A_24, %add3A_25 : i32
    "tpu.region"() ({
      %run_scoped3A_43 = tpu.sem_alloc : memref<!tpu.dma_semaphore, #tpu.memory_space<semaphore_mem>>
      %dma_start3A_44 = arith.constant 0 : i32
      %dma_start3A_45 = tpu.memref_slice %arg6[%add3A_26, %dma_start3A_44] : memref<10240x128xf32, #tpu.memory_space<vmem_shared>> -> memref<128x128xf32, #tpu.memory_space<vmem_shared>>
      %dma_start3A_46 = arith.constant 0 : i32
      %dma_start3A_47 = tpu.memref_slice %arg6[%add3A_26, %dma_start3A_46] : memref<10240x128xf32, #tpu.memory_space<vmem_shared>> -> memref<128x128xf32, #tpu.memory_space<vmem_shared>>
      tpu.enqueue_dma source(%arg10 : memref<128x128xf32, #tpu.memory_space<vmem>>) target(%dma_start3A_47 : memref<128x128xf32, #tpu.memory_space<vmem_shared>>) target_semaphore(%run_scoped3A_43 : memref<!tpu.dma_semaphore, #tpu.memory_space<semaphore_mem>>)
      %dma_wait3A = arith.constant 0 : i32
      %dma_wait3A_48 = tpu.memref_slice %arg6[%add3A_26, %dma_wait3A] : memref<10240x128xf32, #tpu.memory_space<vmem_shared>> -> memref<128x128xf32, #tpu.memory_space<vmem_shared>>
      %dma_wait3A_49 = arith.constant 0 : i32
      %dma_wait3A_50 = tpu.memref_slice %arg6[%add3A_26, %dma_wait3A_49] : memref<10240x128xf32, #tpu.memory_space<vmem_shared>> -> memref<128x128xf32, #tpu.memory_space<vmem_shared>>
      tpu.wait_dma2 semaphore(%run_scoped3A_43 : memref<!tpu.dma_semaphore, #tpu.memory_space<semaphore_mem>>) src(%arg10 : memref<128x128xf32, #tpu.memory_space<vmem>>) dst(%dma_wait3A_50 : memref<128x128xf32, #tpu.memory_space<vmem_shared>>)
      tpu.yield
    }) : () -> ()
    %run_scoped3A = arith.constant 0 : i32
    "tpu.region"() ({
      %run_scoped3A_43 = tpu.sem_alloc : memref<!tpu.dma_semaphore, #tpu.memory_space<semaphore_mem>>
      %dma_start3A_44 = arith.constant 0 : i32
      %dma_start3A_45 = tpu.memref_slice %arg3[%add3A, %run_scoped3A, %dma_start3A_44] : memref<32x80x128xi32, #tpu.memory_space<hbm>> -> memref<1x1x128xi32, #tpu.memory_space<hbm>>
      %dma_start3A_46 = tpu.memref_squeeze %dma_start3A_45 : memref<1x1x128xi32, #tpu.memory_space<hbm>> -> memref<128xi32, #tpu.memory_space<hbm>>
      %dma_start3A_47 = arith.constant 0 : i32
      %dma_start3A_48 = tpu.memref_slice %arg3[%add3A, %run_scoped3A, %dma_start3A_47] : memref<32x80x128xi32, #tpu.memory_space<hbm>> -> memref<1x1x128xi32, #tpu.memory_space<hbm>>
      %dma_start3A_49 = tpu.memref_squeeze %dma_start3A_48 : memref<1x1x128xi32, #tpu.memory_space<hbm>> -> memref<128xi32, #tpu.memory_space<hbm>>
      tpu.enqueue_dma source(%dma_start3A_49 : memref<128xi32, #tpu.memory_space<hbm>>) target(%arg8 : memref<128xi32, #tpu.memory_space<vmem>>) target_semaphore(%run_scoped3A_43 : memref<!tpu.dma_semaphore, #tpu.memory_space<semaphore_mem>>)
      %dma_wait3A = arith.constant 0 : i32
      %dma_wait3A_50 = tpu.memref_slice %arg3[%add3A, %run_scoped3A, %dma_wait3A] : memref<32x80x128xi32, #tpu.memory_space<hbm>> -> memref<1x1x128xi32, #tpu.memory_space<hbm>>
      %dma_wait3A_51 = tpu.memref_squeeze %dma_wait3A_50 : memref<1x1x128xi32, #tpu.memory_space<hbm>> -> memref<128xi32, #tpu.memory_space<hbm>>
      %dma_wait3A_52 = arith.constant 0 : i32
      %dma_wait3A_53 = tpu.memref_slice %arg3[%add3A, %run_scoped3A, %dma_wait3A_52] : memref<32x80x128xi32, #tpu.memory_space<hbm>> -> memref<1x1x128xi32, #tpu.memory_space<hbm>>
      %dma_wait3A_54 = tpu.memref_squeeze %dma_wait3A_53 : memref<1x1x128xi32, #tpu.memory_space<hbm>> -> memref<128xi32, #tpu.memory_space<hbm>>
      tpu.wait_dma2 semaphore(%run_scoped3A_43 : memref<!tpu.dma_semaphore, #tpu.memory_space<semaphore_mem>>) src(%dma_wait3A_54 : memref<128xi32, #tpu.memory_space<hbm>>) dst(%arg8 : memref<128xi32, #tpu.memory_space<vmem>>)
      tpu.yield
    }) : () -> ()
    %dma_start3A = arith.constant 0 : i32
    %dma_start3A_27 = arith.constant 0 : i32
    %dma_start3A_28 = tpu.memref_slice %arg2[%dma_start3A, %dma_start3A_27] : memref<10240x128xf32, #tpu.memory_space<hbm>> -> memref<10240x128xf32, #tpu.memory_space<hbm>>
    tpu.enqueue_indirect_dma source(%dma_start3A_28 : memref<10240x128xf32, #tpu.memory_space<hbm>>) target(%arg10 : memref<128x128xf32, #tpu.memory_space<vmem>>) offsets(%arg8 : memref<128xi32, #tpu.memory_space<vmem>>) semaphore(%arg12 : memref<!tpu.dma_semaphore, #tpu.memory_space<semaphore_mem>>)
    %run_scoped3A_29 = arith.constant 1 : i32
    "tpu.region"() ({
      %run_scoped3A_43 = tpu.sem_alloc : memref<!tpu.dma_semaphore, #tpu.memory_space<semaphore_mem>>
      %dma_start3A_44 = arith.constant 0 : i32
      %dma_start3A_45 = tpu.memref_slice %arg3[%add3A, %run_scoped3A_29, %dma_start3A_44] : memref<32x80x128xi32, #tpu.memory_space<hbm>> -> memref<1x1x128xi32, #tpu.memory_space<hbm>>
      %dma_start3A_46 = tpu.memref_squeeze %dma_start3A_45 : memref<1x1x128xi32, #tpu.memory_space<hbm>> -> memref<128xi32, #tpu.memory_space<hbm>>
      %dma_start3A_47 = arith.constant 0 : i32
      %dma_start3A_48 = tpu.memref_slice %arg3[%add3A, %run_scoped3A_29, %dma_start3A_47] : memref<32x80x128xi32, #tpu.memory_space<hbm>> -> memref<1x1x128xi32, #tpu.memory_space<hbm>>
      %dma_start3A_49 = tpu.memref_squeeze %dma_start3A_48 : memref<1x1x128xi32, #tpu.memory_space<hbm>> -> memref<128xi32, #tpu.memory_space<hbm>>
      tpu.enqueue_dma source(%dma_start3A_49 : memref<128xi32, #tpu.memory_space<hbm>>) target(%arg9 : memref<128xi32, #tpu.memory_space<vmem>>) target_semaphore(%run_scoped3A_43 : memref<!tpu.dma_semaphore, #tpu.memory_space<semaphore_mem>>)
      %dma_wait3A = arith.constant 0 : i32
      %dma_wait3A_50 = tpu.memref_slice %arg3[%add3A, %run_scoped3A_29, %dma_wait3A] : memref<32x80x128xi32, #tpu.memory_space<hbm>> -> memref<1x1x128xi32, #tpu.memory_space<hbm>>
      %dma_wait3A_51 = tpu.memref_squeeze %dma_wait3A_50 : memref<1x1x128xi32, #tpu.memory_space<hbm>> -> memref<128xi32, #tpu.memory_space<hbm>>
      %dma_wait3A_52 = arith.constant 0 : i32
      %dma_wait3A_53 = tpu.memref_slice %arg3[%add3A, %run_scoped3A_29, %dma_wait3A_52] : memref<32x80x128xi32, #tpu.memory_space<hbm>> -> memref<1x1x128xi32, #tpu.memory_space<hbm>>
      %dma_wait3A_54 = tpu.memref_squeeze %dma_wait3A_53 : memref<1x1x128xi32, #tpu.memory_space<hbm>> -> memref<128xi32, #tpu.memory_space<hbm>>
      tpu.wait_dma2 semaphore(%run_scoped3A_43 : memref<!tpu.dma_semaphore, #tpu.memory_space<semaphore_mem>>) src(%dma_wait3A_54 : memref<128xi32, #tpu.memory_space<hbm>>) dst(%arg9 : memref<128xi32, #tpu.memory_space<vmem>>)
      tpu.yield
    }) : () -> ()
    %dma_start3A_30 = arith.constant 0 : i32
    %dma_start3A_31 = arith.constant 0 : i32
    %dma_start3A_32 = tpu.memref_slice %arg2[%dma_start3A_30, %dma_start3A_31] : memref<10240x128xf32, #tpu.memory_space<hbm>> -> memref<10240x128xf32, #tpu.memory_space<hbm>>
    tpu.enqueue_indirect_dma source(%dma_start3A_32 : memref<10240x128xf32, #tpu.memory_space<hbm>>) target(%arg11 : memref<128x128xf32, #tpu.memory_space<vmem>>) offsets(%arg9 : memref<128xi32, #tpu.memory_space<vmem>>) semaphore(%arg13 : memref<!tpu.dma_semaphore, #tpu.memory_space<semaphore_mem>>)
    %barrier3A = arith.constant 0 : index
    tpu.barrier barrier_id(%barrier3A)
    %scan3A_33 = arith.constant 0 : i32
    %scan3A_34 = arith.constant 0 : i32
    %scan3A_35 = arith.constant 40 : i32
    %scan3A_36 = arith.addi %scan3A_34, %scan3A_35 : i32
    %scan3A_37 = arith.constant 1 : i32
    %scan3A_38 = scf.for %scan3A_43 = %scan3A_34 to %scan3A_36 step %scan3A_37 iter_args(%scan3A_44 = %scan3A_33) -> (i32)  : i32 {
      %mul3A_45 = arith.constant 2 : i32
      %mul3A_46 = arith.muli %mul3A_45, %scan3A_43 : i32
      %add3A_47 = arith.constant 0 : i32
      %add3A_48 = arith.addi %mul3A_46, %add3A_47 : i32
      %dma_wait3A = arith.constant 0 : i32
      %dma_wait3A_49 = arith.constant 0 : i32
      %dma_wait3A_50 = tpu.memref_slice %arg2[%dma_wait3A, %dma_wait3A_49] : memref<10240x128xf32, #tpu.memory_space<hbm>> -> memref<128x128xf32, #tpu.memory_space<hbm>>
      %dma_wait3A_51 = arith.constant 0 : i32
      %dma_wait3A_52 = arith.constant 0 : i32
      %dma_wait3A_53 = tpu.memref_slice %arg2[%dma_wait3A_51, %dma_wait3A_52] : memref<10240x128xf32, #tpu.memory_space<hbm>> -> memref<128x128xf32, #tpu.memory_space<hbm>>
      tpu.wait_dma2 semaphore(%arg12 : memref<!tpu.dma_semaphore, #tpu.memory_space<semaphore_mem>>) src(%dma_wait3A_53 : memref<128x128xf32, #tpu.memory_space<hbm>>) dst(%arg10 : memref<128x128xf32, #tpu.memory_space<vmem>>)
      %dma_start3A_54 = arith.constant 0 : i32
      %dma_start3A_55 = tpu.memref_slice %arg7[%add3A_48, %dma_start3A_54] : memref<80x128xi32, #tpu.memory_space<vmem>> -> memref<1x128xi32, #tpu.memory_space<vmem>>
      %dma_start3A_56 = tpu.memref_squeeze %dma_start3A_55 : memref<1x128xi32, #tpu.memory_space<vmem>> -> memref<128xi32, #tpu.memory_space<vmem>>
      %dma_start3A_57 = arith.constant 0 : i32
      %dma_start3A_58 = arith.constant 0 : i32
      %dma_start3A_59 = tpu.memref_slice %arg6[%dma_start3A_57, %dma_start3A_58] : memref<10240x128xf32, #tpu.memory_space<vmem_shared>> -> memref<10240x128xf32, #tpu.memory_space<vmem_shared>>
      tpu.enqueue_indirect_dma source(%arg10 : memref<128x128xf32, #tpu.memory_space<vmem>>) target(%dma_start3A_59 : memref<10240x128xf32, #tpu.memory_space<vmem_shared>>) offsets(%dma_start3A_56 : memref<128xi32, #tpu.memory_space<vmem>>) semaphore(%arg14 : memref<!tpu.dma_semaphore, #tpu.memory_space<semaphore_mem>>) {add = true}
      %dma_wait3A_60 = arith.constant 0 : i32
      %dma_wait3A_61 = arith.constant 0 : i32
      %dma_wait3A_62 = tpu.memref_slice %arg6[%dma_wait3A_60, %dma_wait3A_61] : memref<10240x128xf32, #tpu.memory_space<vmem_shared>> -> memref<128x128xf32, #tpu.memory_space<vmem_shared>>
      %dma_wait3A_63 = arith.constant 0 : i32
      %dma_wait3A_64 = arith.constant 0 : i32
      %dma_wait3A_65 = tpu.memref_slice %arg6[%dma_wait3A_63, %dma_wait3A_64] : memref<10240x128xf32, #tpu.memory_space<vmem_shared>> -> memref<128x128xf32, #tpu.memory_space<vmem_shared>>
      tpu.wait_dma2 semaphore(%arg14 : memref<!tpu.dma_semaphore, #tpu.memory_space<semaphore_mem>>) src(%arg10 : memref<128x128xf32, #tpu.memory_space<vmem>>) dst(%dma_wait3A_65 : memref<128x128xf32, #tpu.memory_space<vmem_shared>>)
      %add3A_66 = arith.constant 2 : i32
      %add3A_67 = arith.addi %add3A_48, %add3A_66 : i32
      %lt3A = arith.constant 80 : i32
      %lt3A_68 = arith.cmpi slt, %add3A_67, %lt3A : i32
      %convert_element_type3A = arith.extui %lt3A_68 : i1 to i32
      %cond3A = arith.constant 0 : i32
      %cond3A_69 = arith.cmpi ne, %convert_element_type3A, %cond3A : i32
      scf.if %cond3A_69 {
        %add3A_100 = arith.constant 2 : i32
        %add3A_101 = arith.addi %add3A_48, %add3A_100 : i32
        "tpu.region"() ({
          %run_scoped3A_107 = tpu.sem_alloc : memref<!tpu.dma_semaphore, #tpu.memory_space<semaphore_mem>>
          %dma_start3A_108 = arith.constant 0 : i32
          %dma_start3A_109 = tpu.memref_slice %arg3[%add3A, %add3A_101, %dma_start3A_108] : memref<32x80x128xi32, #tpu.memory_space<hbm>> -> memref<1x1x128xi32, #tpu.memory_space<hbm>>
          %dma_start3A_110 = tpu.memref_squeeze %dma_start3A_109 : memref<1x1x128xi32, #tpu.memory_space<hbm>> -> memref<128xi32, #tpu.memory_space<hbm>>
          %dma_start3A_111 = arith.constant 0 : i32
          %dma_start3A_112 = tpu.memref_slice %arg3[%add3A, %add3A_101, %dma_start3A_111] : memref<32x80x128xi32, #tpu.memory_space<hbm>> -> memref<1x1x128xi32, #tpu.memory_space<hbm>>
          %dma_start3A_113 = tpu.memref_squeeze %dma_start3A_112 : memref<1x1x128xi32, #tpu.memory_space<hbm>> -> memref<128xi32, #tpu.memory_space<hbm>>
          tpu.enqueue_dma source(%dma_start3A_113 : memref<128xi32, #tpu.memory_space<hbm>>) target(%arg8 : memref<128xi32, #tpu.memory_space<vmem>>) target_semaphore(%run_scoped3A_107 : memref<!tpu.dma_semaphore, #tpu.memory_space<semaphore_mem>>)
          %dma_wait3A_114 = arith.constant 0 : i32
          %dma_wait3A_115 = tpu.memref_slice %arg3[%add3A, %add3A_101, %dma_wait3A_114] : memref<32x80x128xi32, #tpu.memory_space<hbm>> -> memref<1x1x128xi32, #tpu.memory_space<hbm>>
          %dma_wait3A_116 = tpu.memref_squeeze %dma_wait3A_115 : memref<1x1x128xi32, #tpu.memory_space<hbm>> -> memref<128xi32, #tpu.memory_space<hbm>>
          %dma_wait3A_117 = arith.constant 0 : i32
          %dma_wait3A_118 = tpu.memref_slice %arg3[%add3A, %add3A_101, %dma_wait3A_117] : memref<32x80x128xi32, #tpu.memory_space<hbm>> -> memref<1x1x128xi32, #tpu.memory_space<hbm>>
          %dma_wait3A_119 = tpu.memref_squeeze %dma_wait3A_118 : memref<1x1x128xi32, #tpu.memory_space<hbm>> -> memref<128xi32, #tpu.memory_space<hbm>>
          tpu.wait_dma2 semaphore(%run_scoped3A_107 : memref<!tpu.dma_semaphore, #tpu.memory_space<semaphore_mem>>) src(%dma_wait3A_119 : memref<128xi32, #tpu.memory_space<hbm>>) dst(%arg8 : memref<128xi32, #tpu.memory_space<vmem>>)
          tpu.yield
        }) : () -> ()
        %add3A_102 = arith.constant 2 : i32
        %add3A_103 = arith.addi %add3A_48, %add3A_102 : i32
        %dma_start3A_104 = arith.constant 0 : i32
        %dma_start3A_105 = arith.constant 0 : i32
        %dma_start3A_106 = tpu.memref_slice %arg2[%dma_start3A_104, %dma_start3A_105] : memref<10240x128xf32, #tpu.memory_space<hbm>> -> memref<10240x128xf32, #tpu.memory_space<hbm>>
        tpu.enqueue_indirect_dma source(%dma_start3A_106 : memref<10240x128xf32, #tpu.memory_space<hbm>>) target(%arg10 : memref<128x128xf32, #tpu.memory_space<vmem>>) offsets(%arg8 : memref<128xi32, #tpu.memory_space<vmem>>) semaphore(%arg12 : memref<!tpu.dma_semaphore, #tpu.memory_space<semaphore_mem>>)
      } else {
      }
      %mul3A_70 = arith.constant 2 : i32
      %mul3A_71 = arith.muli %mul3A_70, %scan3A_43 : i32
      %add3A_72 = arith.constant 1 : i32
      %add3A_73 = arith.addi %mul3A_71, %add3A_72 : i32
      %dma_wait3A_74 = arith.constant 0 : i32
      %dma_wait3A_75 = arith.constant 0 : i32
      %dma_wait3A_76 = tpu.memref_slice %arg2[%dma_wait3A_74, %dma_wait3A_75] : memref<10240x128xf32, #tpu.memory_space<hbm>> -> memref<128x128xf32, #tpu.memory_space<hbm>>
      %dma_wait3A_77 = arith.constant 0 : i32
      %dma_wait3A_78 = arith.constant 0 : i32
      %dma_wait3A_79 = tpu.memref_slice %arg2[%dma_wait3A_77, %dma_wait3A_78] : memref<10240x128xf32, #tpu.memory_space<hbm>> -> memref<128x128xf32, #tpu.memory_space<hbm>>
      tpu.wait_dma2 semaphore(%arg13 : memref<!tpu.dma_semaphore, #tpu.memory_space<semaphore_mem>>) src(%dma_wait3A_79 : memref<128x128xf32, #tpu.memory_space<hbm>>) dst(%arg11 : memref<128x128xf32, #tpu.memory_space<vmem>>)
      %dma_start3A_80 = arith.constant 0 : i32
      %dma_start3A_81 = tpu.memref_slice %arg7[%add3A_73, %dma_start3A_80] : memref<80x128xi32, #tpu.memory_space<vmem>> -> memref<1x128xi32, #tpu.memory_space<vmem>>
      %dma_start3A_82 = tpu.memref_squeeze %dma_start3A_81 : memref<1x128xi32, #tpu.memory_space<vmem>> -> memref<128xi32, #tpu.memory_space<vmem>>
      %dma_start3A_83 = arith.constant 0 : i32
      %dma_start3A_84 = arith.constant 0 : i32
      %dma_start3A_85 = tpu.memref_slice %arg6[%dma_start3A_83, %dma_start3A_84] : memref<10240x128xf32, #tpu.memory_space<vmem_shared>> -> memref<10240x128xf32, #tpu.memory_space<vmem_shared>>
      tpu.enqueue_indirect_dma source(%arg11 : memref<128x128xf32, #tpu.memory_space<vmem>>) target(%dma_start3A_85 : memref<10240x128xf32, #tpu.memory_space<vmem_shared>>) offsets(%dma_start3A_82 : memref<128xi32, #tpu.memory_space<vmem>>) semaphore(%arg15 : memref<!tpu.dma_semaphore, #tpu.memory_space<semaphore_mem>>) {add = true}
      %dma_wait3A_86 = arith.constant 0 : i32
      %dma_wait3A_87 = arith.constant 0 : i32
      %dma_wait3A_88 = tpu.memref_slice %arg6[%dma_wait3A_86, %dma_wait3A_87] : memref<10240x128xf32, #tpu.memory_space<vmem_shared>> -> memref<128x128xf32, #tpu.memory_space<vmem_shared>>
      %dma_wait3A_89 = arith.constant 0 : i32
      %dma_wait3A_90 = arith.constant 0 : i32
      %dma_wait3A_91 = tpu.memref_slice %arg6[%dma_wait3A_89, %dma_wait3A_90] : memref<10240x128xf32, #tpu.memory_space<vmem_shared>> -> memref<128x128xf32, #tpu.memory_space<vmem_shared>>
      tpu.wait_dma2 semaphore(%arg15 : memref<!tpu.dma_semaphore, #tpu.memory_space<semaphore_mem>>) src(%arg11 : memref<128x128xf32, #tpu.memory_space<vmem>>) dst(%dma_wait3A_91 : memref<128x128xf32, #tpu.memory_space<vmem_shared>>)
      %add3A_92 = arith.constant 2 : i32
      %add3A_93 = arith.addi %add3A_73, %add3A_92 : i32
      %lt3A_94 = arith.constant 80 : i32
      %lt3A_95 = arith.cmpi slt, %add3A_93, %lt3A_94 : i32
      %convert_element_type3A_96 = arith.extui %lt3A_95 : i1 to i32
      %cond3A_97 = arith.constant 0 : i32
      %cond3A_98 = arith.cmpi ne, %convert_element_type3A_96, %cond3A_97 : i32
      scf.if %cond3A_98 {
        %add3A_100 = arith.constant 2 : i32
        %add3A_101 = arith.addi %add3A_73, %add3A_100 : i32
        "tpu.region"() ({
          %run_scoped3A_107 = tpu.sem_alloc : memref<!tpu.dma_semaphore, #tpu.memory_space<semaphore_mem>>
          %dma_start3A_108 = arith.constant 0 : i32
          %dma_start3A_109 = tpu.memref_slice %arg3[%add3A, %add3A_101, %dma_start3A_108] : memref<32x80x128xi32, #tpu.memory_space<hbm>> -> memref<1x1x128xi32, #tpu.memory_space<hbm>>
          %dma_start3A_110 = tpu.memref_squeeze %dma_start3A_109 : memref<1x1x128xi32, #tpu.memory_space<hbm>> -> memref<128xi32, #tpu.memory_space<hbm>>
          %dma_start3A_111 = arith.constant 0 : i32
          %dma_start3A_112 = tpu.memref_slice %arg3[%add3A, %add3A_101, %dma_start3A_111] : memref<32x80x128xi32, #tpu.memory_space<hbm>> -> memref<1x1x128xi32, #tpu.memory_space<hbm>>
          %dma_start3A_113 = tpu.memref_squeeze %dma_start3A_112 : memref<1x1x128xi32, #tpu.memory_space<hbm>> -> memref<128xi32, #tpu.memory_space<hbm>>
          tpu.enqueue_dma source(%dma_start3A_113 : memref<128xi32, #tpu.memory_space<hbm>>) target(%arg9 : memref<128xi32, #tpu.memory_space<vmem>>) target_semaphore(%run_scoped3A_107 : memref<!tpu.dma_semaphore, #tpu.memory_space<semaphore_mem>>)
          %dma_wait3A_114 = arith.constant 0 : i32
          %dma_wait3A_115 = tpu.memref_slice %arg3[%add3A, %add3A_101, %dma_wait3A_114] : memref<32x80x128xi32, #tpu.memory_space<hbm>> -> memref<1x1x128xi32, #tpu.memory_space<hbm>>
          %dma_wait3A_116 = tpu.memref_squeeze %dma_wait3A_115 : memref<1x1x128xi32, #tpu.memory_space<hbm>> -> memref<128xi32, #tpu.memory_space<hbm>>
          %dma_wait3A_117 = arith.constant 0 : i32
          %dma_wait3A_118 = tpu.memref_slice %arg3[%add3A, %add3A_101, %dma_wait3A_117] : memref<32x80x128xi32, #tpu.memory_space<hbm>> -> memref<1x1x128xi32, #tpu.memory_space<hbm>>
          %dma_wait3A_119 = tpu.memref_squeeze %dma_wait3A_118 : memref<1x1x128xi32, #tpu.memory_space<hbm>> -> memref<128xi32, #tpu.memory_space<hbm>>
          tpu.wait_dma2 semaphore(%run_scoped3A_107 : memref<!tpu.dma_semaphore, #tpu.memory_space<semaphore_mem>>) src(%dma_wait3A_119 : memref<128xi32, #tpu.memory_space<hbm>>) dst(%arg9 : memref<128xi32, #tpu.memory_space<vmem>>)
          tpu.yield
        }) : () -> ()
        %add3A_102 = arith.constant 2 : i32
        %add3A_103 = arith.addi %add3A_73, %add3A_102 : i32
        %dma_start3A_104 = arith.constant 0 : i32
        %dma_start3A_105 = arith.constant 0 : i32
        %dma_start3A_106 = tpu.memref_slice %arg2[%dma_start3A_104, %dma_start3A_105] : memref<10240x128xf32, #tpu.memory_space<hbm>> -> memref<10240x128xf32, #tpu.memory_space<hbm>>
        tpu.enqueue_indirect_dma source(%dma_start3A_106 : memref<10240x128xf32, #tpu.memory_space<hbm>>) target(%arg11 : memref<128x128xf32, #tpu.memory_space<vmem>>) offsets(%arg9 : memref<128xi32, #tpu.memory_space<vmem>>) semaphore(%arg13 : memref<!tpu.dma_semaphore, #tpu.memory_space<semaphore_mem>>)
      } else {
      }
      %scan3A_99 = arith.constant 0 : i32
      scf.yield %scan3A_99 : i32
    }
    %scan3A_39 = arith.constant 40 : i32
    %barrier3A_40 = arith.constant 0 : index
    tpu.barrier barrier_id(%barrier3A_40)
    %mul3A_41 = arith.constant 640 : i32
    %mul3A_42 = arith.muli %arg1, %mul3A_41 : i32
    "tpu.region"() ({
      %run_scoped3A_43 = tpu.sem_alloc : memref<!tpu.dma_semaphore, #tpu.memory_space<semaphore_mem>>
      %dma_start3A_44 = arith.constant 0 : i32
      %dma_start3A_45 = tpu.memref_slice %arg5[%arg0, %mul3A_42, %dma_start3A_44] : memref<2x10240x128xf32, #tpu.memory_space<hbm>> -> memref<1x640x128xf32, #tpu.memory_space<hbm>>
      %dma_start3A_46 = tpu.memref_squeeze %dma_start3A_45 : memref<1x640x128xf32, #tpu.memory_space<hbm>> -> memref<640x128xf32, #tpu.memory_space<hbm>>
      %dma_start3A_47 = arith.constant 0 : i32
      %dma_start3A_48 = tpu.memref_slice %arg6[%mul3A_42, %dma_start3A_47] : memref<10240x128xf32, #tpu.memory_space<vmem_shared>> -> memref<640x128xf32, #tpu.memory_space<vmem_shared>>
      tpu.enqueue_dma source(%dma_start3A_48 : memref<640x128xf32, #tpu.memory_space<vmem_shared>>) target(%dma_start3A_46 : memref<640x128xf32, #tpu.memory_space<hbm>>) target_semaphore(%run_scoped3A_43 : memref<!tpu.dma_semaphore, #tpu.memory_space<semaphore_mem>>)
      %dma_wait3A = arith.constant 0 : i32
      %dma_wait3A_49 = tpu.memref_slice %arg5[%arg0, %mul3A_42, %dma_wait3A] : memref<2x10240x128xf32, #tpu.memory_space<hbm>> -> memref<1x640x128xf32, #tpu.memory_space<hbm>>
      %dma_wait3A_50 = tpu.memref_squeeze %dma_wait3A_49 : memref<1x640x128xf32, #tpu.memory_space<hbm>> -> memref<640x128xf32, #tpu.memory_space<hbm>>
      %dma_wait3A_51 = arith.constant 0 : i32
      %dma_wait3A_52 = tpu.memref_slice %arg6[%mul3A_42, %dma_wait3A_51] : memref<10240x128xf32, #tpu.memory_space<vmem_shared>> -> memref<640x128xf32, #tpu.memory_space<vmem_shared>>
      tpu.wait_dma2 semaphore(%run_scoped3A_43 : memref<!tpu.dma_semaphore, #tpu.memory_space<semaphore_mem>>) src(%dma_wait3A_52 : memref<640x128xf32, #tpu.memory_space<vmem_shared>>) dst(%dma_wait3A_50 : memref<640x128xf32, #tpu.memory_space<hbm>>)
      tpu.yield
    }) : () -> ()
    return
  }
}

#map = affine_map<(d0, d1) -> (0, 0, 0)>
module attributes {stable_mosaic.version = 14 : i64} {
  func.func @_deg(%arg0: i32, %arg1: i32, %arg2: memref<32x80x128xi32, #tpu.memory_space<hbm>>, %arg3: memref<32x80x128xi32, #tpu.memory_space<hbm>>, %arg4: memref<2x2x10240xf32, #tpu.memory_space<hbm>>, %arg5: memref<10240xf32, #tpu.memory_space<vmem_shared>>, %arg6: memref<10240xf32, #tpu.memory_space<vmem_shared>>, %arg7: memref<80x128xi32, #tpu.memory_space<vmem>>, %arg8: memref<80x128xi32, #tpu.memory_space<vmem>>, %arg9: memref<128xf32, #tpu.memory_space<vmem>>, %arg10: memref<640xf32, #tpu.memory_space<vmem>>, %arg11: memref<!tpu.dma_semaphore, #tpu.memory_space<semaphore_mem>>, %arg12: memref<!tpu.dma_semaphore, #tpu.memory_space<semaphore_mem>>) attributes {dimension_semantics = [#tpu.dimension_semantics<core_parallel>, #tpu.dimension_semantics<subcore_parallel>], iteration_bounds = array<i64: 2, 16>, scalar_prefetch = 0 : i64, scratch_operands = 8 : i64, tpu.core_type = #tpu.core_type<sc_vector_subcore>, window_params = [{transform_indices = #map}, {transform_indices = #map}, {transform_indices = #map}]} {
    %mul3A = arith.constant 16 : i32
    %mul3A_0 = arith.muli %arg0, %mul3A : i32
    %add3A = arith.addi %mul3A_0, %arg1 : i32
    %scan3A = arith.constant 0 : i32
    %scan3A_1 = arith.constant 0 : i32
    %scan3A_2 = arith.constant 40 : i32
    %scan3A_3 = arith.addi %scan3A_1, %scan3A_2 : i32
    %scan3A_4 = arith.constant 1 : i32
    %scan3A_5 = scf.for %scan3A_71 = %scan3A_1 to %scan3A_3 step %scan3A_4 iter_args(%scan3A_72 = %scan3A) -> (i32)  : i32 {
      %broadcast_in_dim3A_73 = arith.constant 0.000000e+00 : f32
      %broadcast_in_dim3A_74 = vector.broadcast %broadcast_in_dim3A_73 : f32 to vector<16xf32>
      %mul3A_75 = arith.constant 16 : i32
      %mul3A_76 = arith.muli %scan3A_71, %mul3A_75 : i32
      %swap3A_77 = arith.index_cast %mul3A_76 : i32 to index
      %swap3A_78 = tpu.vector_load %arg10[%swap3A_77] {strides = array<i32>} : memref<640xf32, #tpu.memory_space<vmem>>, vector<16xf32>,
      %swap3A_79 = vector.shape_cast %swap3A_78 : vector<16xf32> to vector<16xf32>
      %swap3A_80 = vector.shape_cast %broadcast_in_dim3A_74 : vector<16xf32> to vector<16xf32>
      tpu.vector_store %arg10[%swap3A_77], %swap3A_80 {strides = array<i32>} : memref<640xf32, #tpu.memory_space<vmem>>, vector<16xf32>,
      %scan3A_81 = arith.constant 0 : i32
      scf.yield %scan3A_81 : i32
    }
    %scan3A_6 = arith.constant 40 : i32
    %broadcast_in_dim3A = arith.constant 1.000000e+00 : f32
    %broadcast_in_dim3A_7 = vector.broadcast %broadcast_in_dim3A : f32 to vector<16xf32>
    %swap3A = arith.constant 0 : index
    %swap3A_8 = tpu.vector_load %arg9[%swap3A] {strides = array<i32>} : memref<128xf32, #tpu.memory_space<vmem>>, vector<16xf32>,
    %swap3A_9 = vector.shape_cast %swap3A_8 : vector<16xf32> to vector<16xf32>
    %swap3A_10 = vector.shape_cast %broadcast_in_dim3A_7 : vector<16xf32> to vector<16xf32>
    tpu.vector_store %arg9[%swap3A], %swap3A_10 {strides = array<i32>} : memref<128xf32, #tpu.memory_space<vmem>>, vector<16xf32>,
    %broadcast_in_dim3A_11 = arith.constant 1.000000e+00 : f32
    %broadcast_in_dim3A_12 = vector.broadcast %broadcast_in_dim3A_11 : f32 to vector<16xf32>
    %swap3A_13 = arith.constant 16 : index
    %swap3A_14 = tpu.vector_load %arg9[%swap3A_13] {strides = array<i32>} : memref<128xf32, #tpu.memory_space<vmem>>, vector<16xf32>,
    %swap3A_15 = vector.shape_cast %swap3A_14 : vector<16xf32> to vector<16xf32>
    %swap3A_16 = vector.shape_cast %broadcast_in_dim3A_12 : vector<16xf32> to vector<16xf32>
    tpu.vector_store %arg9[%swap3A_13], %swap3A_16 {strides = array<i32>} : memref<128xf32, #tpu.memory_space<vmem>>, vector<16xf32>,
    %broadcast_in_dim3A_17 = arith.constant 1.000000e+00 : f32
    %broadcast_in_dim3A_18 = vector.broadcast %broadcast_in_dim3A_17 : f32 to vector<16xf32>
    %swap3A_19 = arith.constant 32 : index
    %swap3A_20 = tpu.vector_load %arg9[%swap3A_19] {strides = array<i32>} : memref<128xf32, #tpu.memory_space<vmem>>, vector<16xf32>,
    %swap3A_21 = vector.shape_cast %swap3A_20 : vector<16xf32> to vector<16xf32>
    %swap3A_22 = vector.shape_cast %broadcast_in_dim3A_18 : vector<16xf32> to vector<16xf32>
    tpu.vector_store %arg9[%swap3A_19], %swap3A_22 {strides = array<i32>} : memref<128xf32, #tpu.memory_space<vmem>>, vector<16xf32>,
    %broadcast_in_dim3A_23 = arith.constant 1.000000e+00 : f32
    %broadcast_in_dim3A_24 = vector.broadcast %broadcast_in_dim3A_23 : f32 to vector<16xf32>
    %swap3A_25 = arith.constant 48 : index
    %swap3A_26 = tpu.vector_load %arg9[%swap3A_25] {strides = array<i32>} : memref<128xf32, #tpu.memory_space<vmem>>, vector<16xf32>,
    %swap3A_27 = vector.shape_cast %swap3A_26 : vector<16xf32> to vector<16xf32>
    %swap3A_28 = vector.shape_cast %broadcast_in_dim3A_24 : vector<16xf32> to vector<16xf32>
    tpu.vector_store %arg9[%swap3A_25], %swap3A_28 {strides = array<i32>} : memref<128xf32, #tpu.memory_space<vmem>>, vector<16xf32>,
    %broadcast_in_dim3A_29 = arith.constant 1.000000e+00 : f32
    %broadcast_in_dim3A_30 = vector.broadcast %broadcast_in_dim3A_29 : f32 to vector<16xf32>
    %swap3A_31 = arith.constant 64 : index
    %swap3A_32 = tpu.vector_load %arg9[%swap3A_31] {strides = array<i32>} : memref<128xf32, #tpu.memory_space<vmem>>, vector<16xf32>,
    %swap3A_33 = vector.shape_cast %swap3A_32 : vector<16xf32> to vector<16xf32>
    %swap3A_34 = vector.shape_cast %broadcast_in_dim3A_30 : vector<16xf32> to vector<16xf32>
    tpu.vector_store %arg9[%swap3A_31], %swap3A_34 {strides = array<i32>} : memref<128xf32, #tpu.memory_space<vmem>>, vector<16xf32>,
    %broadcast_in_dim3A_35 = arith.constant 1.000000e+00 : f32
    %broadcast_in_dim3A_36 = vector.broadcast %broadcast_in_dim3A_35 : f32 to vector<16xf32>
    %swap3A_37 = arith.constant 80 : index
    %swap3A_38 = tpu.vector_load %arg9[%swap3A_37] {strides = array<i32>} : memref<128xf32, #tpu.memory_space<vmem>>, vector<16xf32>,
    %swap3A_39 = vector.shape_cast %swap3A_38 : vector<16xf32> to vector<16xf32>
    %swap3A_40 = vector.shape_cast %broadcast_in_dim3A_36 : vector<16xf32> to vector<16xf32>
    tpu.vector_store %arg9[%swap3A_37], %swap3A_40 {strides = array<i32>} : memref<128xf32, #tpu.memory_space<vmem>>, vector<16xf32>,
    %broadcast_in_dim3A_41 = arith.constant 1.000000e+00 : f32
    %broadcast_in_dim3A_42 = vector.broadcast %broadcast_in_dim3A_41 : f32 to vector<16xf32>
    %swap3A_43 = arith.constant 96 : index
    %swap3A_44 = tpu.vector_load %arg9[%swap3A_43] {strides = array<i32>} : memref<128xf32, #tpu.memory_space<vmem>>, vector<16xf32>,
    %swap3A_45 = vector.shape_cast %swap3A_44 : vector<16xf32> to vector<16xf32>
    %swap3A_46 = vector.shape_cast %broadcast_in_dim3A_42 : vector<16xf32> to vector<16xf32>
    tpu.vector_store %arg9[%swap3A_43], %swap3A_46 {strides = array<i32>} : memref<128xf32, #tpu.memory_space<vmem>>, vector<16xf32>,
    %broadcast_in_dim3A_47 = arith.constant 1.000000e+00 : f32
    %broadcast_in_dim3A_48 = vector.broadcast %broadcast_in_dim3A_47 : f32 to vector<16xf32>
    %swap3A_49 = arith.constant 112 : index
    %swap3A_50 = tpu.vector_load %arg9[%swap3A_49] {strides = array<i32>} : memref<128xf32, #tpu.memory_space<vmem>>, vector<16xf32>,
    %swap3A_51 = vector.shape_cast %swap3A_50 : vector<16xf32> to vector<16xf32>
    %swap3A_52 = vector.shape_cast %broadcast_in_dim3A_48 : vector<16xf32> to vector<16xf32>
    tpu.vector_store %arg9[%swap3A_49], %swap3A_52 {strides = array<i32>} : memref<128xf32, #tpu.memory_space<vmem>>, vector<16xf32>,
    %mul3A_53 = arith.constant 640 : i32
    %mul3A_54 = arith.muli %arg1, %mul3A_53 : i32
    "tpu.region"() ({
      %run_scoped3A_71 = tpu.sem_alloc : memref<!tpu.dma_semaphore, #tpu.memory_space<semaphore_mem>>
      %dma_start3A = arith.constant 0 : i32
      %dma_start3A_72 = arith.constant 0 : i32
      %dma_start3A_73 = tpu.memref_slice %arg2[%add3A, %dma_start3A, %dma_start3A_72] : memref<32x80x128xi32, #tpu.memory_space<hbm>> -> memref<1x80x128xi32, #tpu.memory_space<hbm>>
      %dma_start3A_74 = tpu.memref_squeeze %dma_start3A_73 : memref<1x80x128xi32, #tpu.memory_space<hbm>> -> memref<80x128xi32, #tpu.memory_space<hbm>>
      %dma_start3A_75 = arith.constant 0 : i32
      %dma_start3A_76 = arith.constant 0 : i32
      %dma_start3A_77 = tpu.memref_slice %arg2[%add3A, %dma_start3A_75, %dma_start3A_76] : memref<32x80x128xi32, #tpu.memory_space<hbm>> -> memref<1x80x128xi32, #tpu.memory_space<hbm>>
      %dma_start3A_78 = tpu.memref_squeeze %dma_start3A_77 : memref<1x80x128xi32, #tpu.memory_space<hbm>> -> memref<80x128xi32, #tpu.memory_space<hbm>>
      tpu.enqueue_dma source(%dma_start3A_78 : memref<80x128xi32, #tpu.memory_space<hbm>>) target(%arg7 : memref<80x128xi32, #tpu.memory_space<vmem>>) target_semaphore(%run_scoped3A_71 : memref<!tpu.dma_semaphore, #tpu.memory_space<semaphore_mem>>)
      %dma_wait3A = arith.constant 0 : i32
      %dma_wait3A_79 = arith.constant 0 : i32
      %dma_wait3A_80 = tpu.memref_slice %arg2[%add3A, %dma_wait3A, %dma_wait3A_79] : memref<32x80x128xi32, #tpu.memory_space<hbm>> -> memref<1x80x128xi32, #tpu.memory_space<hbm>>
      %dma_wait3A_81 = tpu.memref_squeeze %dma_wait3A_80 : memref<1x80x128xi32, #tpu.memory_space<hbm>> -> memref<80x128xi32, #tpu.memory_space<hbm>>
      %dma_wait3A_82 = arith.constant 0 : i32
      %dma_wait3A_83 = arith.constant 0 : i32
      %dma_wait3A_84 = tpu.memref_slice %arg2[%add3A, %dma_wait3A_82, %dma_wait3A_83] : memref<32x80x128xi32, #tpu.memory_space<hbm>> -> memref<1x80x128xi32, #tpu.memory_space<hbm>>
      %dma_wait3A_85 = tpu.memref_squeeze %dma_wait3A_84 : memref<1x80x128xi32, #tpu.memory_space<hbm>> -> memref<80x128xi32, #tpu.memory_space<hbm>>
      tpu.wait_dma2 semaphore(%run_scoped3A_71 : memref<!tpu.dma_semaphore, #tpu.memory_space<semaphore_mem>>) src(%dma_wait3A_85 : memref<80x128xi32, #tpu.memory_space<hbm>>) dst(%arg7 : memref<80x128xi32, #tpu.memory_space<vmem>>)
      tpu.yield
    }) : () -> ()
    "tpu.region"() ({
      %run_scoped3A_71 = tpu.sem_alloc : memref<!tpu.dma_semaphore, #tpu.memory_space<semaphore_mem>>
      %dma_start3A = arith.constant 0 : i32
      %dma_start3A_72 = arith.constant 0 : i32
      %dma_start3A_73 = tpu.memref_slice %arg3[%add3A, %dma_start3A, %dma_start3A_72] : memref<32x80x128xi32, #tpu.memory_space<hbm>> -> memref<1x80x128xi32, #tpu.memory_space<hbm>>
      %dma_start3A_74 = tpu.memref_squeeze %dma_start3A_73 : memref<1x80x128xi32, #tpu.memory_space<hbm>> -> memref<80x128xi32, #tpu.memory_space<hbm>>
      %dma_start3A_75 = arith.constant 0 : i32
      %dma_start3A_76 = arith.constant 0 : i32
      %dma_start3A_77 = tpu.memref_slice %arg3[%add3A, %dma_start3A_75, %dma_start3A_76] : memref<32x80x128xi32, #tpu.memory_space<hbm>> -> memref<1x80x128xi32, #tpu.memory_space<hbm>>
      %dma_start3A_78 = tpu.memref_squeeze %dma_start3A_77 : memref<1x80x128xi32, #tpu.memory_space<hbm>> -> memref<80x128xi32, #tpu.memory_space<hbm>>
      tpu.enqueue_dma source(%dma_start3A_78 : memref<80x128xi32, #tpu.memory_space<hbm>>) target(%arg8 : memref<80x128xi32, #tpu.memory_space<vmem>>) target_semaphore(%run_scoped3A_71 : memref<!tpu.dma_semaphore, #tpu.memory_space<semaphore_mem>>)
      %dma_wait3A = arith.constant 0 : i32
      %dma_wait3A_79 = arith.constant 0 : i32
      %dma_wait3A_80 = tpu.memref_slice %arg3[%add3A, %dma_wait3A, %dma_wait3A_79] : memref<32x80x128xi32, #tpu.memory_space<hbm>> -> memref<1x80x128xi32, #tpu.memory_space<hbm>>
      %dma_wait3A_81 = tpu.memref_squeeze %dma_wait3A_80 : memref<1x80x128xi32, #tpu.memory_space<hbm>> -> memref<80x128xi32, #tpu.memory_space<hbm>>
      %dma_wait3A_82 = arith.constant 0 : i32
      %dma_wait3A_83 = arith.constant 0 : i32
      %dma_wait3A_84 = tpu.memref_slice %arg3[%add3A, %dma_wait3A_82, %dma_wait3A_83] : memref<32x80x128xi32, #tpu.memory_space<hbm>> -> memref<1x80x128xi32, #tpu.memory_space<hbm>>
      %dma_wait3A_85 = tpu.memref_squeeze %dma_wait3A_84 : memref<1x80x128xi32, #tpu.memory_space<hbm>> -> memref<80x128xi32, #tpu.memory_space<hbm>>
      tpu.wait_dma2 semaphore(%run_scoped3A_71 : memref<!tpu.dma_semaphore, #tpu.memory_space<semaphore_mem>>) src(%dma_wait3A_85 : memref<80x128xi32, #tpu.memory_space<hbm>>) dst(%arg8 : memref<80x128xi32, #tpu.memory_space<vmem>>)
      tpu.yield
    }) : () -> ()
    "tpu.region"() ({
      %run_scoped3A_71 = tpu.sem_alloc : memref<!tpu.dma_semaphore, #tpu.memory_space<semaphore_mem>>
      %dma_start3A = tpu.memref_slice %arg5[%mul3A_54] : memref<10240xf32, #tpu.memory_space<vmem_shared>> -> memref<640xf32, #tpu.memory_space<vmem_shared>>
      %dma_start3A_72 = tpu.memref_slice %arg5[%mul3A_54] : memref<10240xf32, #tpu.memory_space<vmem_shared>> -> memref<640xf32, #tpu.memory_space<vmem_shared>>
      tpu.enqueue_dma source(%arg10 : memref<640xf32, #tpu.memory_space<vmem>>) target(%dma_start3A_72 : memref<640xf32, #tpu.memory_space<vmem_shared>>) target_semaphore(%run_scoped3A_71 : memref<!tpu.dma_semaphore, #tpu.memory_space<semaphore_mem>>)
      %dma_wait3A = tpu.memref_slice %arg5[%mul3A_54] : memref<10240xf32, #tpu.memory_space<vmem_shared>> -> memref<640xf32, #tpu.memory_space<vmem_shared>>
      %dma_wait3A_73 = tpu.memref_slice %arg5[%mul3A_54] : memref<10240xf32, #tpu.memory_space<vmem_shared>> -> memref<640xf32, #tpu.memory_space<vmem_shared>>
      tpu.wait_dma2 semaphore(%run_scoped3A_71 : memref<!tpu.dma_semaphore, #tpu.memory_space<semaphore_mem>>) src(%arg10 : memref<640xf32, #tpu.memory_space<vmem>>) dst(%dma_wait3A_73 : memref<640xf32, #tpu.memory_space<vmem_shared>>)
      tpu.yield
    }) : () -> ()
    "tpu.region"() ({
      %run_scoped3A_71 = tpu.sem_alloc : memref<!tpu.dma_semaphore, #tpu.memory_space<semaphore_mem>>
      %dma_start3A = tpu.memref_slice %arg6[%mul3A_54] : memref<10240xf32, #tpu.memory_space<vmem_shared>> -> memref<640xf32, #tpu.memory_space<vmem_shared>>
      %dma_start3A_72 = tpu.memref_slice %arg6[%mul3A_54] : memref<10240xf32, #tpu.memory_space<vmem_shared>> -> memref<640xf32, #tpu.memory_space<vmem_shared>>
      tpu.enqueue_dma source(%arg10 : memref<640xf32, #tpu.memory_space<vmem>>) target(%dma_start3A_72 : memref<640xf32, #tpu.memory_space<vmem_shared>>) target_semaphore(%run_scoped3A_71 : memref<!tpu.dma_semaphore, #tpu.memory_space<semaphore_mem>>)
      %dma_wait3A = tpu.memref_slice %arg6[%mul3A_54] : memref<10240xf32, #tpu.memory_space<vmem_shared>> -> memref<640xf32, #tpu.memory_space<vmem_shared>>
      %dma_wait3A_73 = tpu.memref_slice %arg6[%mul3A_54] : memref<10240xf32, #tpu.memory_space<vmem_shared>> -> memref<640xf32, #tpu.memory_space<vmem_shared>>
      tpu.wait_dma2 semaphore(%run_scoped3A_71 : memref<!tpu.dma_semaphore, #tpu.memory_space<semaphore_mem>>) src(%arg10 : memref<640xf32, #tpu.memory_space<vmem>>) dst(%dma_wait3A_73 : memref<640xf32, #tpu.memory_space<vmem_shared>>)
      tpu.yield
    }) : () -> ()
    %barrier3A = arith.constant 0 : index
    tpu.barrier barrier_id(%barrier3A)
    %scan3A_55 = arith.constant 0 : i32
    %scan3A_56 = arith.constant 0 : i32
    %scan3A_57 = arith.constant 80 : i32
    %scan3A_58 = arith.addi %scan3A_56, %scan3A_57 : i32
    %scan3A_59 = arith.constant 1 : i32
    %scan3A_60 = scf.for %scan3A_71 = %scan3A_56 to %scan3A_58 step %scan3A_59 iter_args(%scan3A_72 = %scan3A_55) -> (i32)  : i32 {
      %dma_start3A = arith.constant 0 : i32
      %dma_start3A_73 = tpu.memref_slice %arg7[%scan3A_71, %dma_start3A] : memref<80x128xi32, #tpu.memory_space<vmem>> -> memref<1x128xi32, #tpu.memory_space<vmem>>
      %dma_start3A_74 = tpu.memref_squeeze %dma_start3A_73 : memref<1x128xi32, #tpu.memory_space<vmem>> -> memref<128xi32, #tpu.memory_space<vmem>>
      %dma_start3A_75 = arith.constant 0 : i32
      %dma_start3A_76 = tpu.memref_slice %arg5[%dma_start3A_75] : memref<10240xf32, #tpu.memory_space<vmem_shared>> -> memref<10240xf32, #tpu.memory_space<vmem_shared>>
      tpu.enqueue_indirect_dma source(%arg9 : memref<128xf32, #tpu.memory_space<vmem>>) target(%dma_start3A_76 : memref<10240xf32, #tpu.memory_space<vmem_shared>>) offsets(%dma_start3A_74 : memref<128xi32, #tpu.memory_space<vmem>>) semaphore(%arg11 : memref<!tpu.dma_semaphore, #tpu.memory_space<semaphore_mem>>) {add = true}
      %dma_start3A_77 = arith.constant 0 : i32
      %dma_start3A_78 = tpu.memref_slice %arg8[%scan3A_71, %dma_start3A_77] : memref<80x128xi32, #tpu.memory_space<vmem>> -> memref<1x128xi32, #tpu.memory_space<vmem>>
      %dma_start3A_79 = tpu.memref_squeeze %dma_start3A_78 : memref<1x128xi32, #tpu.memory_space<vmem>> -> memref<128xi32, #tpu.memory_space<vmem>>
      %dma_start3A_80 = arith.constant 0 : i32
      %dma_start3A_81 = tpu.memref_slice %arg6[%dma_start3A_80] : memref<10240xf32, #tpu.memory_space<vmem_shared>> -> memref<10240xf32, #tpu.memory_space<vmem_shared>>
      tpu.enqueue_indirect_dma source(%arg9 : memref<128xf32, #tpu.memory_space<vmem>>) target(%dma_start3A_81 : memref<10240xf32, #tpu.memory_space<vmem_shared>>) offsets(%dma_start3A_79 : memref<128xi32, #tpu.memory_space<vmem>>) semaphore(%arg12 : memref<!tpu.dma_semaphore, #tpu.memory_space<semaphore_mem>>) {add = true}
      %scan3A_82 = arith.constant 0 : i32
      scf.yield %scan3A_82 : i32
    }
    %scan3A_61 = arith.constant 80 : i32
    %scan3A_62 = arith.constant 0 : i32
    %scan3A_63 = arith.constant 0 : i32
    %scan3A_64 = arith.constant 80 : i32
    %scan3A_65 = arith.addi %scan3A_63, %scan3A_64 : i32
    %scan3A_66 = arith.constant 1 : i32
    %scan3A_67 = scf.for %scan3A_71 = %scan3A_63 to %scan3A_65 step %scan3A_66 iter_args(%scan3A_72 = %scan3A_62) -> (i32)  : i32 {
      %dma_wait3A = arith.constant 0 : i32
      %dma_wait3A_73 = tpu.memref_slice %arg5[%dma_wait3A] : memref<10240xf32, #tpu.memory_space<vmem_shared>> -> memref<128xf32, #tpu.memory_space<vmem_shared>>
      %dma_wait3A_74 = arith.constant 0 : i32
      %dma_wait3A_75 = tpu.memref_slice %arg5[%dma_wait3A_74] : memref<10240xf32, #tpu.memory_space<vmem_shared>> -> memref<128xf32, #tpu.memory_space<vmem_shared>>
      tpu.wait_dma2 semaphore(%arg11 : memref<!tpu.dma_semaphore, #tpu.memory_space<semaphore_mem>>) src(%arg9 : memref<128xf32, #tpu.memory_space<vmem>>) dst(%dma_wait3A_75 : memref<128xf32, #tpu.memory_space<vmem_shared>>)
      %dma_wait3A_76 = arith.constant 0 : i32
      %dma_wait3A_77 = tpu.memref_slice %arg6[%dma_wait3A_76] : memref<10240xf32, #tpu.memory_space<vmem_shared>> -> memref<128xf32, #tpu.memory_space<vmem_shared>>
      %dma_wait3A_78 = arith.constant 0 : i32
      %dma_wait3A_79 = tpu.memref_slice %arg6[%dma_wait3A_78] : memref<10240xf32, #tpu.memory_space<vmem_shared>> -> memref<128xf32, #tpu.memory_space<vmem_shared>>
      tpu.wait_dma2 semaphore(%arg12 : memref<!tpu.dma_semaphore, #tpu.memory_space<semaphore_mem>>) src(%arg9 : memref<128xf32, #tpu.memory_space<vmem>>) dst(%dma_wait3A_79 : memref<128xf32, #tpu.memory_space<vmem_shared>>)
      %scan3A_80 = arith.constant 0 : i32
      scf.yield %scan3A_80 : i32
    }
    %scan3A_68 = arith.constant 80 : i32
    %barrier3A_69 = arith.constant 0 : index
    tpu.barrier barrier_id(%barrier3A_69)
    %run_scoped3A = arith.constant 0 : i32
    "tpu.region"() ({
      %run_scoped3A_71 = tpu.sem_alloc : memref<!tpu.dma_semaphore, #tpu.memory_space<semaphore_mem>>
      %dma_start3A = tpu.memref_slice %arg4[%arg0, %run_scoped3A, %mul3A_54] : memref<2x2x10240xf32, #tpu.memory_space<hbm>> -> memref<1x1x640xf32, #tpu.memory_space<hbm>>
      %dma_start3A_72 = tpu.memref_squeeze %dma_start3A : memref<1x1x640xf32, #tpu.memory_space<hbm>> -> memref<640xf32, #tpu.memory_space<hbm>>
      %dma_start3A_73 = tpu.memref_slice %arg5[%mul3A_54] : memref<10240xf32, #tpu.memory_space<vmem_shared>> -> memref<640xf32, #tpu.memory_space<vmem_shared>>
      tpu.enqueue_dma source(%dma_start3A_73 : memref<640xf32, #tpu.memory_space<vmem_shared>>) target(%dma_start3A_72 : memref<640xf32, #tpu.memory_space<hbm>>) target_semaphore(%run_scoped3A_71 : memref<!tpu.dma_semaphore, #tpu.memory_space<semaphore_mem>>)
      %dma_wait3A = tpu.memref_slice %arg4[%arg0, %run_scoped3A, %mul3A_54] : memref<2x2x10240xf32, #tpu.memory_space<hbm>> -> memref<1x1x640xf32, #tpu.memory_space<hbm>>
      %dma_wait3A_74 = tpu.memref_squeeze %dma_wait3A : memref<1x1x640xf32, #tpu.memory_space<hbm>> -> memref<640xf32, #tpu.memory_space<hbm>>
      %dma_wait3A_75 = tpu.memref_slice %arg5[%mul3A_54] : memref<10240xf32, #tpu.memory_space<vmem_shared>> -> memref<640xf32, #tpu.memory_space<vmem_shared>>
      tpu.wait_dma2 semaphore(%run_scoped3A_71 : memref<!tpu.dma_semaphore, #tpu.memory_space<semaphore_mem>>) src(%dma_wait3A_75 : memref<640xf32, #tpu.memory_space<vmem_shared>>) dst(%dma_wait3A_74 : memref<640xf32, #tpu.memory_space<hbm>>)
      tpu.yield
    }) : () -> ()
    %run_scoped3A_70 = arith.constant 1 : i32
    "tpu.region"() ({
      %run_scoped3A_71 = tpu.sem_alloc : memref<!tpu.dma_semaphore, #tpu.memory_space<semaphore_mem>>
      %dma_start3A = tpu.memref_slice %arg4[%arg0, %run_scoped3A_70, %mul3A_54] : memref<2x2x10240xf32, #tpu.memory_space<hbm>> -> memref<1x1x640xf32, #tpu.memory_space<hbm>>
      %dma_start3A_72 = tpu.memref_squeeze %dma_start3A : memref<1x1x640xf32, #tpu.memory_space<hbm>> -> memref<640xf32, #tpu.memory_space<hbm>>
      %dma_start3A_73 = tpu.memref_slice %arg6[%mul3A_54] : memref<10240xf32, #tpu.memory_space<vmem_shared>> -> memref<640xf32, #tpu.memory_space<vmem_shared>>
      tpu.enqueue_dma source(%dma_start3A_73 : memref<640xf32, #tpu.memory_space<vmem_shared>>) target(%dma_start3A_72 : memref<640xf32, #tpu.memory_space<hbm>>) target_semaphore(%run_scoped3A_71 : memref<!tpu.dma_semaphore, #tpu.memory_space<semaphore_mem>>)
      %dma_wait3A = tpu.memref_slice %arg4[%arg0, %run_scoped3A_70, %mul3A_54] : memref<2x2x10240xf32, #tpu.memory_space<hbm>> -> memref<1x1x640xf32, #tpu.memory_space<hbm>>
      %dma_wait3A_74 = tpu.memref_squeeze %dma_wait3A : memref<1x1x640xf32, #tpu.memory_space<hbm>> -> memref<640xf32, #tpu.memory_space<hbm>>
      %dma_wait3A_75 = tpu.memref_slice %arg6[%mul3A_54] : memref<10240xf32, #tpu.memory_space<vmem_shared>> -> memref<640xf32, #tpu.memory_space<vmem_shared>>
      tpu.wait_dma2 semaphore(%run_scoped3A_71 : memref<!tpu.dma_semaphore, #tpu.memory_space<semaphore_mem>>) src(%dma_wait3A_75 : memref<640xf32, #tpu.memory_space<vmem_shared>>) dst(%dma_wait3A_74 : memref<640xf32, #tpu.memory_space<hbm>>)
      tpu.yield
    }) : () -> ()
    return
  }
}

module attributes {stable_mosaic.version = 14 : i64} {
  func.func @_h2_body(%arg0: i32, %arg1: memref<2048x128xf32, #tpu.memory_space<vmem>>, %arg2: memref<128x128xf32, #tpu.memory_space<vmem>>, %arg3: memref<2048xf32, #tpu.memory_space<vmem>>, %arg4: memref<2048x128xf32, #tpu.memory_space<vmem>>) attributes {dimension_semantics = [#tpu.dimension_semantics<arbitrary>], iteration_bounds = array<i64: 5>, scalar_prefetch = 0 : i64, scratch_operands = 0 : i64, tpu.core_type = #tpu.core_type<tc>, window_params = [{transform_indices = @transform_0, window_bounds = array<i64: 2048, 128>}, {pipeline_mode = #tpu.pipeline_mode<synchronous>, transform_indices = @transform_1, window_bounds = array<i64: 128, 128>}, {transform_indices = @transform_2, window_bounds = array<i64: 2048>}, {transform_indices = @transform_3, window_bounds = array<i64: 2048, 128>}]} {
    %get3A = arith.constant 0 : index
    %get3A_0 = vector.load %arg3[%get3A] : memref<2048xf32, #tpu.memory_space<vmem>>, vector<2048xf32>
    %max3A = arith.constant 1.000000e+00 : f32
    %max3A_1 = vector.broadcast %max3A : f32 to vector<2048xf32>
    %max3A_2 = arith.maximumf %get3A_0, %max3A_1 : vector<2048xf32>
    %rsqrt3A = math.rsqrt %max3A_2 : vector<2048xf32>
    %get3A_3 = arith.constant 0 : index
    %get3A_4 = arith.constant 0 : index
    %get3A_5 = vector.load %arg1[%get3A_3, %get3A_4] : memref<2048x128xf32, #tpu.memory_space<vmem>>, vector<2048x128xf32>
    %get3A_6 = arith.constant 0 : index
    %get3A_7 = arith.constant 0 : index
    %get3A_8 = vector.load %arg2[%get3A_6, %get3A_7] : memref<128x128xf32, #tpu.memory_space<vmem>>, vector<128x128xf32>
    %dot_general3A = arith.constant dense<0.000000e+00> : vector<2048x128xf32>
    %dot_general3A_9 = tpu.matmul %get3A_5, %get3A_8, %dot_general3A {dimension_numbers = #tpu.dot_dimension_numbers<[1], [0], [0], [1], [0, 0, 1, 1], [], []>, transpose_lhs_hint = false} : vector<2048x128xf32>, vector<128x128xf32>, vector<2048x128xf32> -> vector<2048x128xf32>
    %broadcast_in_dim3A = vector.shape_cast %rsqrt3A : vector<2048xf32> to vector<2048x1xf32>
    %mul3A = vector.broadcast %broadcast_in_dim3A : vector<2048x1xf32> to vector<2048x128xf32>
    %mul3A_10 = arith.mulf %dot_general3A_9, %mul3A : vector<2048x128xf32>
    %swap3A = arith.constant 0 : index
    %swap3A_11 = arith.constant 0 : index
    %swap3A_12 = vector.load %arg4[%swap3A, %swap3A_11] : memref<2048x128xf32, #tpu.memory_space<vmem>>, vector<2048x128xf32>
    tpu.vector_store %arg4[%swap3A, %swap3A_11], %mul3A_10 {strides = array<i32>} : memref<2048x128xf32, #tpu.memory_space<vmem>>, vector<2048x128xf32>,
    return
  }
  func.func @transform_0(%arg0: i32) -> (i32, i32) {
    %c0_i32 = arith.constant 0 : i32
    %c0_i32_0 = arith.constant 0 : i32
    return %arg0, %c0_i32 : i32, i32
  }
  func.func @transform_1(%arg0: i32) -> (i32, i32) {
    %c0_i32 = arith.constant 0 : i32
    %c0_i32_0 = arith.constant 0 : i32
    %c0_i32_1 = arith.constant 0 : i32
    return %c0_i32, %c0_i32_0 : i32, i32
  }
  func.func @transform_2(%arg0: i32) -> i32 {
    %c0_i32 = arith.constant 0 : i32
    return %arg0 : i32
  }
  func.func @transform_3(%arg0: i32) -> (i32, i32) {
    %c0_i32 = arith.constant 0 : i32
    %c0_i32_0 = arith.constant 0 : i32
    return %arg0, %c0_i32 : i32, i32
  }
}

module attributes {stable_mosaic.version = 14 : i64} {
  func.func @_out_body(%arg0: i32, %arg1: memref<2x2048x128xf32, #tpu.memory_space<vmem>>, %arg2: memref<2048xf32, #tpu.memory_space<vmem>>, %arg3: memref<128xf32, #tpu.memory_space<vmem>>, %arg4: memref<2048x128xf32, #tpu.memory_space<vmem>>) attributes {dimension_semantics = [#tpu.dimension_semantics<arbitrary>], iteration_bounds = array<i64: 5>, scalar_prefetch = 0 : i64, scratch_operands = 0 : i64, tpu.core_type = #tpu.core_type<tc>, window_params = [{transform_indices = @transform_0, window_bounds = array<i64: 2, 2048, 128>}, {transform_indices = @transform_1, window_bounds = array<i64: 2048>}, {pipeline_mode = #tpu.pipeline_mode<synchronous>, transform_indices = @transform_2, window_bounds = array<i64: 128>}, {transform_indices = @transform_3, window_bounds = array<i64: 2048, 128>}]} {
    %get3A = arith.constant 0 : index
    %get3A_0 = arith.constant 0 : index
    %get3A_1 = arith.constant 0 : index
    %get3A_2 = vector.load %arg1[%get3A, %get3A_0, %get3A_1] : memref<2x2048x128xf32, #tpu.memory_space<vmem>>, vector<1x2048x128xf32>
    %get3A_3 = vector.shape_cast %get3A_2 : vector<1x2048x128xf32> to vector<2048x128xf32>
    %get3A_4 = arith.constant 1 : index
    %get3A_5 = arith.constant 0 : index
    %get3A_6 = arith.constant 0 : index
    %get3A_7 = vector.load %arg1[%get3A_4, %get3A_5, %get3A_6] : memref<2x2048x128xf32, #tpu.memory_space<vmem>>, vector<1x2048x128xf32>
    %get3A_8 = vector.shape_cast %get3A_7 : vector<1x2048x128xf32> to vector<2048x128xf32>
    %add3A = arith.addf %get3A_3, %get3A_8 : vector<2048x128xf32>
    %get3A_9 = arith.constant 0 : index
    %get3A_10 = vector.load %arg2[%get3A_9] : memref<2048xf32, #tpu.memory_space<vmem>>, vector<2048xf32>
    %max3A = arith.constant 1.000000e+00 : f32
    %max3A_11 = vector.broadcast %max3A : f32 to vector<2048xf32>
    %max3A_12 = arith.maximumf %get3A_10, %max3A_11 : vector<2048xf32>
    %rsqrt3A = math.rsqrt %max3A_12 : vector<2048xf32>
    %broadcast_in_dim3A = vector.shape_cast %rsqrt3A : vector<2048xf32> to vector<2048x1xf32>
    %mul3A = vector.broadcast %broadcast_in_dim3A : vector<2048x1xf32> to vector<2048x128xf32>
    %mul3A_13 = arith.mulf %add3A, %mul3A : vector<2048x128xf32>
    %get3A_14 = arith.constant 0 : index
    %get3A_15 = vector.load %arg3[%get3A_14] : memref<128xf32, #tpu.memory_space<vmem>>, vector<128xf32>
    %broadcast_in_dim3A_16 = vector.shape_cast %get3A_15 : vector<128xf32> to vector<1x128xf32>
    %add3A_17 = vector.broadcast %broadcast_in_dim3A_16 : vector<1x128xf32> to vector<2048x128xf32>
    %add3A_18 = arith.addf %mul3A_13, %add3A_17 : vector<2048x128xf32>
    %swap3A = arith.constant 0 : index
    %swap3A_19 = arith.constant 0 : index
    %swap3A_20 = vector.load %arg4[%swap3A, %swap3A_19] : memref<2048x128xf32, #tpu.memory_space<vmem>>, vector<2048x128xf32>
    tpu.vector_store %arg4[%swap3A, %swap3A_19], %add3A_18 {strides = array<i32>} : memref<2048x128xf32, #tpu.memory_space<vmem>>, vector<2048x128xf32>,
    return
  }
  func.func @transform_0(%arg0: i32) -> (i32, i32, i32) {
    %c0_i32 = arith.constant 0 : i32
    %c0_i32_0 = arith.constant 0 : i32
    %c0_i32_1 = arith.constant 0 : i32
    return %c0_i32, %arg0, %c0_i32_0 : i32, i32, i32
  }
  func.func @transform_1(%arg0: i32) -> i32 {
    %c0_i32 = arith.constant 0 : i32
    return %arg0 : i32
  }
  func.func @transform_2(%arg0: i32) -> i32 {
    %c0_i32 = arith.constant 0 : i32
    %c0_i32_0 = arith.constant 0 : i32
    return %c0_i32 : i32
  }
  func.func @transform_3(%arg0: i32) -> (i32, i32) {
    %c0_i32 = arith.constant 0 : i32
    %c0_i32_0 = arith.constant 0 : i32
    return %arg0, %c0_i32 : i32, i32
  }
}

</mosaic_0001>

<sc_bundles>
// kernel: kernel.6.cloned.1.call-start
scs
__scs_entry_jumppad:
0x0: {  	(pc) =	sbr.rel $0x88, $3  }
0x1: {  	(tag) =	ssettag $0x0;
	lr =	simm.s32 $0x1  }
0x2: {  	[smem:$0x3F9D] =	sst lr;
	_ =	strace $0xD0000000  }
0x3: {  	_ = 	snop  }
0x4: {  	_ = 	snop  }
0x5: {  	_ = 	snop  }
0x6: {  	_ = 	snop  }
0x7: {  	_ = 	snop  }
__scs_overlays_trampoline_lowered:
0x8: {  	[smem:$0x3FAC] =	sst s0  }
0x9: {  	[smem:$0x3FAD] =	sst s1  }
0xa: {  	[smem:$0x3FAE] =	sst s2  }
0xb: {  	[smem:$0x3FAF] =	sst s3  }
0xc: {  	[smem:$0x3FB0] =	sst s4  }
0xd: {  	[smem:$0x3FB1] =	sst s5  }
0xe: {  	[smem:$0x3FB2] =	sst s6  }
0xf: {  	[smem:$0x3FB3] =	sst s7  }
0x10: {  	[smem:$0x3FB4] =	sst s8  }
0x11: {  	[smem:$0x3FB5] =	sst s9;
	s0 =	simm.s32 @!p0 $0x0  }
0x12: {  	s1 =	sld [smem:$0x3F9B];
	s0 =	simm.s32 @p0 $0x1  }
0x13: {  	[smem:$0x3FB6] =	sst s0;
	s0 =	simm.s32 @!p1 $0x0  }
0x14: {  	s2 =	sld [smem:$0x3F9A];
	s0 =	simm.s32 @p1 $0x1  }
0x15: {  	[smem:$0x3FB7] =	sst s0;
	s0 =	simm.s32 @!p2 $0x0  }
0x16: {  	s3 =	sld [smem:$0x3FDB];
	s0 =	simm.s32 @p2 $0x1  }
0x17: {  	s4 =	simm.s32 $0x1BF5;
	[smem:$0x3FB9] =	sst s0  }
0x18: {  	s0 =	sld [smem:$0x3F9C];
	_ =	swait.ge [sflag:s4], $0x0  }
0x19: {  	s7 =	sld [smem:$0x3F9D]  }
0x1a: {  	s8 =	sadd.s32 $0xFFFFE003, lr  }
0x1b: {  	s9 =	sadd.s32 $0xFFFFFEF7, lr;
	s5 =	simm.s32 $0xFFFFFFFF;
	p2 =	slt.u32 s8, $0xFFFFF086  }
0x1c: {  	p1 =	slt.u32 s9, $0xF7A;
	s5 =	simm.s32 @!p2 $0x0  }
0x1d: {  	s5 =	simm.s32 @p1 $0x1;
	p0 =	seq.s32 s7, s2  }
0x1e: {  	s7 =	smul.u32 @!p0 $0xF7A, s2;
	p2 =	seq.s32 @!p0 s5, $0x0  }
0x1f: {  	s9 =	smul.u32 $0xF7A, s1;
	s8 =	simm.s32 @!p0 $0x1BF5;
	p2 =	por !p2, p0  }
0x20: {  	[sflag:s8] =	ssyncset.s32 @!p0 $0xFFFFF086;
	s6 =	sadd.s32 @!p0 s3, s7;
	s7 =	simm.s32 @!p0 $0x108  }
0x21: {  	s3 =	sadd.s32 s3, s9;
	s6 =	sadd.s32 @!p0 $0x88, s6;
	s7 =	simm.s32 @p2 $0x1082  }
0x22: {  	[simem:s7], [sflag:s8] =	dma.local @!p0 [hbm:s6], $0xF7A  }
0x23: {  	s9 =	sor.u32 $0xD0000000, s2;
	s6 =	simm.s32 $0x108;
	_ =	swait.ge @!p0 [sflag:s8], $0x0  }
0x24: {  	s3 =	sadd.s32 $0x88, s3;
	s6 =	simm.s32 @!p1 $0x1082;
	[sflag:s4] =	ssyncset.s32 $0xFFFFF086  }
0x25: {  	[simem:s6], [sflag:s4] =	dma.local [hbm:s3], $0xF7A  }
0x26: {  	[smem:$0x3F9D] =	sst s1;
	(tag) =	ssettag s2;
	_ =	strace s9  }
0x27: {  	s1 =	sld [smem:$0x3FAD]  }
0x28: {  	s2 =	sld [smem:$0x3FAE]  }
0x29: {  	s4 =	sld [smem:$0x3FB0]  }
0x2a: {  	p0 =	seq.s32 s5, $0x0;
	s5 =	sld [smem:$0x3FB1]  }
0x2b: {  	s6 =	sld [smem:$0x3FB2]  }
0x2c: {  	s7 =	sld [smem:$0x3FB3]  }
0x2d: {  	s3 =	simm.s32 $0x108;
	s8 =	sld [smem:$0x3FB4]  }
0x2e: {  	s3 =	simm.s32 @!p0 $0x1082;
	s9 =	sld [smem:$0x3FB5]  }
0x2f: {  	lr =	sadd.s32 s0, s3;
	s0 =	sld [smem:$0x3FAC]  }
0x30: {  	s3 =	sld [smem:$0x3FAF]  }
0x31: {  	[smem:$0x3FB8] =	sst s10  }
0x32: {  	s10 =	sld [smem:$0x3FB6];
	_ =	sdelay $0x3  }
0x33: {  	p0 =	seq.s32 s10, $0x1;
	s10 =	sld [smem:$0x3FB8];
	_ =	sdelay $0x3  }
0x34: {  	[smem:$0x3FB8] =	sst s10  }
0x35: {  	s10 =	sld [smem:$0x3FB7];
	_ =	sdelay $0x3  }
0x36: {  	p1 =	seq.s32 s10, $0x1;
	s10 =	sld [smem:$0x3FB8];
	_ =	sdelay $0x3  }
0x37: {  	[smem:$0x3FB8] =	sst s10  }
0x38: {  	s10 =	sld [smem:$0x3FB9]  }
0x39: {  	_ = 	snop;
	(pc) =	sbr.ind lr, $3  }
0x3a: {  	_ = 	snop  }
0x3b: {  	_ = 	snop  }
0x3c: {  	p2 =	seq.s32 s10, $0x1;
	s10 =	sld [smem:$0x3FB8]  }
0x3d: {  	_ =	shalt  }
0x3e: {  	_ =	shalt  }
0x3f: {  	_ =	shalt  }
0x40: {  	_ =	shalt  }
0x41: {  	_ =	shalt  }
0x42: {  	_ =	shalt  }
0x43: {  	_ =	shalt  }
0x44: {  	_ =	shalt  }
0x45: {  	_ =	shalt  }
0x46: {  	_ =	shalt  }
0x47: {  	_ =	shalt  }
0x48: {  	_ =	shalt  }
0x49: {  	_ =	shalt  }
0x4a: {  	_ =	shalt  }
0x4b: {  	_ =	shalt  }
0x4c: {  	_ =	shalt  }
0x4d: {  	_ =	shalt  }
0x4e: {  	_ =	shalt  }
0x4f: {  	_ =	shalt  }
0x50: {  	_ =	shalt  }
0x51: {  	_ =	shalt  }
0x52: {  	_ =	shalt  }
0x53: {  	_ =	shalt  }
0x54: {  	_ =	shalt  }
0x55: {  	_ =	shalt  }
0x56: {  	_ =	shalt  }
0x57: {  	_ =	shalt  }
0x58: {  	_ =	shalt  }
0x59: {  	_ =	shalt  }
0x5a: {  	_ =	shalt  }
0x5b: {  	_ =	shalt  }
0x5c: {  	_ =	shalt  }
0x5d: {  	_ =	shalt  }
0x5e: {  	_ =	shalt  }
0x5f: {  	_ =	shalt  }
0x60: {  	_ =	shalt  }
0x61: {  	_ =	shalt  }
0x62: {  	_ =	shalt  }
0x63: {  	_ =	shalt  }
0x64: {  	_ =	shalt  }
0x65: {  	_ =	shalt  }
0x66: {  	_ =	shalt  }
0x67: {  	_ =	shalt  }
0x68: {  	_ =	shalt  }
0x69: {  	_ =	shalt  }
0x6a: {  	_ =	shalt  }
0x6b: {  	_ =	shalt  }
0x6c: {  	_ =	shalt  }
0x6d: {  	_ =	shalt  }
0x6e: {  	_ =	shalt  }
0x6f: {  	_ =	shalt  }
0x70: {  	_ =	shalt  }
0x71: {  	_ =	shalt  }
0x72: {  	_ =	shalt  }
0x73: {  	_ =	shalt  }
0x74: {  	_ =	shalt  }
0x75: {  	_ =	shalt  }
0x76: {  	_ =	shalt  }
0x77: {  	_ =	shalt  }
0x78: {  	_ =	shalt  }
0x79: {  	_ =	shalt  }
0x7a: {  	_ =	shalt  }
0x7b: {  	_ =	shalt  }
0x7c: {  	_ =	shalt  }
0x7d: {  	_ =	shalt  }
0x7e: {  	_ =	shalt  }
0x7f: {  	_ =	shalt  }
0x80: {  	_ =	shalt  }
0x81: {  	_ =	shalt  }
0x82: {  	_ =	shalt  }
0x83: {  	_ =	shalt  }
0x84: {  	_ =	shalt  }
0x85: {  	_ =	shalt  }
0x86: {  	_ =	shalt  }
0x87: {  	_ =	shalt  }
.Lfunc_end0:
.L_simem_size_0:
called_computation_lowered:
.L_overlay_start_0:
0x88: {  	s2 =	sld [smem:$0x3FD9]  }
0x89: {  	s3 =	sld [smem:$0x3FFE];
	_ =	sdelay $0x1  }
0x8a: {  	s1 =	srdreg.scid  }
0x8b: {  	s0 =	sand.u32 $0x1, s1  }
0x8c: {  	s17 =	sshll.u32 s0, $0xA;
	s2 =	sadd.s32 s3, s2  }
0x8d: {  	s2 =	sadd.s32 s2, s17  }
0x8e: {  	[smem:$0x3FC4] =	sst s2  }
0x8f: {  	_ = 	snop  }
0x90: {  	s2 =	sld [smem:$0x3FD0];
	(tm) =	ssettm $0x1  }
0x91: {  	s18 =	sld [smem:$0x3FFB];
	_ =	sdelay $0x3  }
0x92: {  	_ =	strace s18  }
0x93: {  	s3 =	sld [smem:$0x3FFC];
	_ =	sdelay $0x3  }
0x94: {  	_ =	strace s3  }
0x95: {  	s3 =	sld [smem:$0x3FFD];
	_ =	sdelay $0x3  }
0x96: {  	_ =	strace s3  }
0x97: {  	_ =	strace $0x8FFFFFFF  }
0x98: {  	s19 =	sld [smem:$0x3FDB];
	_ =	sdelay $0x1  }
0x99: {  	s4 =	simm.s32 $_scs_section_size  }
0x9a: {  	s5 =	simm.s32 $_size__tile_overlayer_lowered;
	s6 =	simm.s32 $_tile_overlayer_lowered  }
0x9b: {  	s22 =	simm.s32 $0x1BFF;
	s21 =	sshll.u32 s6, $0x1;
	s3 =	sadd.s32 s4, s19  }
0x9c: {  	s7 =	simm.s32 $0x0;
	s20 =	sshll.u32 s5, $0x1;
	s5 =	sadd.s32 s21, s3  }
0x9d: {  	[timem:s7], [sflag:s22] =	dma.local [hbm:s5], s20  }
0x9e: {  	_ =	swait.ge [sflag:s22], s20  }
0x9f: {  	s4 =	ssub.s32 $0x0, s20;
	[sflag:s22] =	ssyncset.done $0x0  }
0xa0: {  	[sflag:s22] =	ssyncadd.s32 s4;
	_ =	sdelay $0x1  }
0xa1: {  	s23 =	simm.s32 $0x1B8B  }
0xa2: {  	_ =	swait.ge [sflag:s23], $0x1  }
0xa3: {  	[sflag:s23] =	ssyncset.done $0x0  }
0xa4: {  	s25 =	simm.s32 $0x1B8E;
	s24 =	sld [smem:$0x3FFE];
	[sflag:s23] =	ssyncadd.s32 $0xFFFFFFFF  }
0xa5: {  	s26 =	simm.s32 $execute0_lowered;
	[smem:$0x3FD2] =	sst s25  }
0xa6: {  	s5 =	sshll.u32 s26, $0x1;
	_ =	strace $0x80000046;
	[dreg:$0x1] =	wrdreg $0xFFFFFFFF  }
0xa7: {  	s28 =	simm.s32 $_size_execute0_lowered;
	s3 =	sadd.s32 s3, s5;
	[dreg:$0x0] =	wrdreg $0x0  }
0xa8: {  	s5 =	sshll.u32 s28, $0x1;
	[dreg:$0x2] =	wrdreg s3  }
0xa9: {  	[dreg:$0x3] =	wrdreg s5  }
0xaa: {  	[dreg:$0x4] =	wrdreg $0xC0  }
0xab: {  	_ =	task [dreg:s7], $0x5FFFF  }
0xac: {  	[dreg:$0x1] =	wrdreg $0xFFFFFFFF  }
0xad: {  	[dreg:$0x0] =	wrdreg $0x60  }
0xae: {  	[dreg:$0x2] =	wrdreg s2  }
0xaf: {  	[dreg:$0x3] =	wrdreg s24  }
0xb0: {  	[dreg:$0x4] =	wrdreg $0x0  }
0xb1: {  	[dreg:$0x5] =	wrdreg $0x2800  }
0xb2: {  	[dreg:$0x6] =	wrdreg $0x9  }
0xb3: {  	_ =	task.clear_ibuf [dreg:s7], $0x7FFFF;
	_ =	strace $0x90000046  }
0xb4: {  	s29 =	simm.s32 $0x9;
	_ =	strace $0x80000048  }
0xb5: {  	_ =	swait.ge [sflag:s29], $0x1  }
0xb6: {  	[sflag:s29] =	ssyncadd.s32 $0xFFFFFFFF  }
0xb7: {  	_ =	strace $0x90000048  }
0xb8: {  	_ =	sfence  }
0xb9: {  	s30 =	sld [smem:$0x0];
	_ =	sdelay $0x2  }
0xba: {  	s31 =	sshll.u32 s1, $0xD;
	s1 =	sshrl.u32 s1, $0x2  }
0xbb: {  	s3 =	sand.u32 $0x4000, s31;
	s1 =	sadd.s32 s1, s30  }
0xbc: {  	s0 =	sor.u32 s3, s0;
	s1 =	sshll.u32 s1, $0x11  }
0xbd: {  	s0 =	sor.u32 s1, s0  }
0xbe: {  	s0 =	sadd.s32 $0x8F2B, s0  }
0xbf: {  	[sflag:s0] =	ssyncadd.remote.s32 $0x1  }
0xc0: {  	_ =	sfence.sel $0xFFFF  }
0xc1: {  	[dreg:$0x0] =	wrdreg $0xFFFFFFFF;
	(pc) =	sbr.abs _section_cstart, $3  }
0xc2: {  	[dreg:$0x1] =	wrdreg $0xFFFFFFFF  }
0xc3: {  	_ =	task.clear_ibuf [dreg:s7], $0x2FFFF;
	_ =	strace $0x9FFFFFFF  }
0xc4: {  	(tm) =	ssettm $0x7FFFFFFF  }
0xc5: {  	_ =	shalt  }
tec
execute0_lowered:
.L_overlay_start_1:
0x0: {  	(tag) =	ssettag $0x1  }
0x1: {  	s5 =	rddreg [dreg:$0x0]  }
0x2: {  	s6 =	rddreg [dreg:$0x1]  }
0x3: {  	s1 =	rddreg [dreg:$0x2]  }
0x4: {  	s3 =	rddreg [dreg:$0x3];
	s2 =	srdreg.scid  }
0x5: {  	s0 =	rddreg [dreg:$0x4];
	s4 =	simm.s32 $0x0;
	s13 =	simm.s32 $0x3  }
0x6: {  	s14 =	simm.s32 $0x2D00;
	s15 =	simm.s32 $0x5580;
	s16 =	simm.s32 $0x80  }
0x7: {  	s17 =	simm.s32 $0x5500;
	s18 =	simm.s32 $0x1;
	s19 =	simm.s32 $0x2  }
0x8: {  	s21 =	simm.s32 $0x20;
	s22 =	simm.s32 $0x10;
	s7 =	sand.u32 $0x1, s2  }
0x9: {  	s23 =	simm.s32 $0x0;
	s2 =	stileid.u32;
	s9 =	smul.u32 $0x5000, s7  }
0xa: {  	[smem:$0x7FF] =	sst s4;
	s8 =	sshll.u32 s7, $0x4;
	s10 =	smul.u32 $0x500, s2  }
0xb: {  	_ =	strace $0x80000047;
	s7 =	ssub.s32 $0x2, s7;
	s31 =	smul.u32 $0x280, s2  }
0xc: {  	s20 =	sshll.u32 s2, $0x6;
	s8 =	sor.u32 s2, s8;
	s30 =	sshrl.u32 s7, $0x1  }
0xd: {  	s20 =	sor.u32 $0x1C03, s20;
	s8 =	smul.u32 $0x500, s8;
	s9 =	sadd.s32 s10, s9  }
0xe: {  	s12 =	ssub.s32 s7, s30;
	s7 =	sadd.s32 s31, s1;
	s9 =	sshrl.u32 s9, $0x3  }
0xf: {  	s29 =	sadd.s32 s8, s6;
	s11 =	sadd.s32 s9, s6;
	s5 =	sadd.s32 s5, s8  }
0x10: {  	s8 =	sadd.s32 s31, s3;
	s6 =	sadd.s32 $0x1200, s29;
	s9 =	sadd.s32 $0xB200, s11  }
0x11: {  	v0 =	vimm.f32 $0.0e+00;
	v1 =	vimm.f32 $1.000000000e+00;
	s10 =	sadd.s32 $0xB210, s11;
	s11 =	smax.u32 s12, $0x1;
	s12 =	simm.s32 $0x500  }
.LBB2_1:
0x12: {  	[tilespmem:$0x5580] =	vst v0  }
0x13: {  	[tilespmem:$0x5590] =	vst v0  }
0x14: {  	[tilespmem:$0x55A0] =	vst v0  }
0x15: {  	[tilespmem:$0x55B0] =	vst v0  }
0x16: {  	[tilespmem:$0x55C0] =	vst v0  }
0x17: {  	[tilespmem:$0x55D0] =	vst v0  }
0x18: {  	[tilespmem:$0x55E0] =	vst v0  }
0x19: {  	[tilespmem:$0x55F0] =	vst v0  }
0x1a: {  	[tilespmem:$0x5600] =	vst v0  }
0x1b: {  	[tilespmem:$0x5610] =	vst v0  }
0x1c: {  	[tilespmem:$0x5620] =	vst v0  }
0x1d: {  	[tilespmem:$0x5630] =	vst v0  }
0x1e: {  	[tilespmem:$0x5640] =	vst v0  }
0x1f: {  	[tilespmem:$0x5650] =	vst v0  }
0x20: {  	[tilespmem:$0x5660] =	vst v0  }
0x21: {  	[tilespmem:$0x5670] =	vst v0  }
0x22: {  	[tilespmem:$0x5680] =	vst v0  }
0x23: {  	[tilespmem:$0x5690] =	vst v0  }
0x24: {  	[tilespmem:$0x56A0] =	vst v0  }
0x25: {  	[tilespmem:$0x56B0] =	vst v0  }
0x26: {  	[tilespmem:$0x56C0] =	vst v0  }
0x27: {  	[tilespmem:$0x56D0] =	vst v0  }
0x28: {  	[tilespmem:$0x56E0] =	vst v0  }
0x29: {  	[tilespmem:$0x56F0] =	vst v0  }
0x2a: {  	[tilespmem:$0x5700] =	vst v0  }
0x2b: {  	[tilespmem:$0x5710] =	vst v0  }
0x2c: {  	[tilespmem:$0x5720] =	vst v0  }
0x2d: {  	[tilespmem:$0x5730] =	vst v0  }
0x2e: {  	[tilespmem:$0x5740] =	vst v0  }
0x2f: {  	[tilespmem:$0x5750] =	vst v0  }
0x30: {  	[tilespmem:$0x5760] =	vst v0  }
0x31: {  	[tilespmem:$0x5770] =	vst v0  }
0x32: {  	[tilespmem:$0x5780] =	vst v0  }
0x33: {  	[tilespmem:$0x5790] =	vst v0  }
0x34: {  	[tilespmem:$0x57A0] =	vst v0  }
0x35: {  	[tilespmem:$0x57B0] =	vst v0  }
0x36: {  	[tilespmem:$0x57C0] =	vst v0  }
0x37: {  	[tilespmem:$0x57D0] =	vst v0  }
0x38: {  	[tilespmem:$0x57E0] =	vst v0  }
0x39: {  	[tilespmem:$0x57F0] =	vst v0  }
0x3a: {  	[tilespmem:$0x5500] =	vst v1  }
0x3b: {  	[tilespmem:$0x5510] =	vst v1  }
0x3c: {  	[tilespmem:$0x5520] =	vst v1  }
0x3d: {  	[tilespmem:$0x5530] =	vst v1  }
0x3e: {  	[tilespmem:$0x5540] =	vst v1  }
0x3f: {  	[tilespmem:$0x5550] =	vst v1  }
0x40: {  	[tilespmem:$0x5560] =	vst v1  }
0x41: {  	[tilespmem:$0x5570] =	vst v1  }
0x42: {  	[tilespmem:s12], [sflag:$0x3] =	stream.linear.gather [hbm4b:s5+s4], $0x2800, $0x38;
	[tilespmem:$0x5800] =	vst v63  }
0x43: {  	_ =	swait.ge [sflag:s13], $0x2800  }
0x44: {  	[sflag:s13] =	ssyncset.done $0x0  }
0x45: {  	[sflag:s13] =	ssyncadd.s32 $0xFFFFD800  }
0x46: {  	[tilespmem:s14], [sflag:$0x3] =	stream.linear.gather [hbm4b:s6+s4], $0x2800, $0x38;
	[tilespmem:$0x5800] =	vst v63  }
0x47: {  	_ =	swait.ge [sflag:s13], $0x2800  }
0x48: {  	[sflag:s13] =	ssyncset.done $0x0  }
0x49: {  	[sflag:s13] =	ssyncadd.s32 $0xFFFFD800  }
0x4a: {  	[spmem:s7] =	stream.linear.scatter [tilespmem:s15], [sflag:$0x3], $0x280, $0x38;
	[tilespmem:$0x5800] =	vst v63  }
0x4b: {  	_ =	swait.ge [sflag:s13], $0x280  }
0x4c: {  	[sflag:s13] =	ssyncset.done $0x0  }
0x4d: {  	[sflag:s13] =	ssyncadd.s32 $0xFFFFFD80  }
0x4e: {  	[spmem:s8] =	stream.linear.scatter [tilespmem:s15], [sflag:$0x3], $0x280, $0x38;
	[tilespmem:$0x5800] =	vst v63  }
0x4f: {  	_ =	swait.ge [sflag:s13], $0x280  }
0x50: {  	[sflag:s13] =	ssyncset.done $0x0  }
0x51: {  	[sflag:s13] =	ssyncadd.s32 $0xFFFFFD80  }
0x52: {  	s24 =	simm.s32 $0x500;
	[bflag:$0x0] =	sbarrier.arrive $0xFFFF  }
0x53: {  	[spmem:s1] =	stream.indirect.scatter.add.f32 [tilespmem:s17], [sflag:$0x1], $0x1, s24, s16, $0xb8;
	[tilespmem:$0x5800] =	vst v63  }
0x54: {  	s25 =	simm.s32 $0x2D00;
	s24 =	simm.s32 $0x200  }
.LBB2_2:
0x55: {  	[spmem:s3] =	stream.indirect.scatter.add.f32 [tilespmem:s17], [sflag:$0x2], $0x1, s25, s16, $0xb8;
	[tilespmem:$0x5800] =	vst v63  }
0x56: {  	s25 =	smov.u32 s24;
	p0 =	sne.s32 s24, $0x9E00  }
.Ltmp0:
0x57: {  	s24 =	sadd.s32 $0x200, s24;
	(pc) =	sbr.rel @p0 .LBB2_2-.Ltmp0, $4  }
0x58: {  	s25 =	sshra.s32 s25, $0x2  }
0x59: {  	s26 =	sadd.s32 $0x500, s25  }
0x5a: {  	[spmem:s1] =	stream.indirect.scatter.add.f32 [tilespmem:s17], [sflag:$0x1], $0x1, s26, s16, $0xb8;
	[tilespmem:$0x5800] =	vst v63  }
0x5b: {  	s25 =	sadd.s32 $0x2D00, s25  }
0x5c: {  	[spmem:s3] =	stream.indirect.scatter.add.f32 [tilespmem:s17], [sflag:$0x2], $0x1, s25, s16, $0xb8;
	[tilespmem:$0x5800] =	vst v63  }
0x5d: {  	_ =	swait.ge [sflag:s18], $0x80  }
0x5e: {  	[sflag:s18] =	ssyncset.done $0x0  }
0x5f: {  	[sflag:s18] =	ssyncadd.s32 $0xFFFFFF80  }
0x60: {  	_ =	swait.ge [sflag:s19], $0x80  }
0x61: {  	s24 =	simm.s32 $0x4F;
	[sflag:s19] =	ssyncset.done $0x0  }
.LBB2_4:
0x62: {  	p0 =	sne.s32 s24, $0x1;
	s24 =	sadd.s32 $0xFFFFFFFF, s24;
	[sflag:s19] =	ssyncadd.s32 $0xFFFFFF80  }
.Ltmp1:
0x63: {  	_ =	swait.ge [sflag:s18], $0x80;
	(pc) =	sbr.rel @p0 .LBB2_4-.Ltmp1, $4  }
0x64: {  	[sflag:s18] =	ssyncset.done $0x0  }
0x65: {  	[sflag:s18] =	ssyncadd.s32 $0xFFFFFF80  }
0x66: {  	_ =	swait.ge [sflag:s19], $0x80  }
0x67: {  	[sflag:s19] =	ssyncset.done $0x0  }
0x68: {  	[sflag:s19] =	ssyncadd.s32 $0xFFFFFF80  }
0x69: {  	s24 =	sshrl.u32 s7, $0x3;
	[bflag:$0x0] =	sbarrier.arrive $0xFFFF  }
0x6a: {  	[hbm:s9@s21], [sflag:s20] =	dma.strided [spmem:s24@s22], $0x50, s18, $0x10   }
0x6b: {  	s23 =	sadd.s32 $0x1, s23;
	_ =	swait.ge [sflag:s13], $0x50  }
0x6c: {  	p0 =	sne.s32 s23, s11;
	[sflag:s13] =	ssyncset.done $0x0  }
.Ltmp2:
0x6d: {  	s31 =	sshrl.u32 s8, $0x3;
	[sflag:s13] =	ssyncadd.s32 $0xFFFFFFB0;
	(pc) =	sbr.rel @p0 .LBB2_1-.Ltmp2, $4  }
0x6e: {  	[hbm:s10@s21], [sflag:s20] =	dma.strided [spmem:s31@s22], $0x50, s18, $0x10   }
0x6f: {  	_ =	swait.ge [sflag:s13], $0x50  }
0x70: {  	[sflag:s13] =	ssyncset.done $0x0  }
0x71: {  	[sflag:s13] =	ssyncadd.s32 $0xFFFFFFB0  }
0x72: {  	_ =	sfence.sel $0x180000  }
0x73: {  	[bflag:$0x0] =	sbarrier.arrive $0xFFFF  }
0x74: {  	p0 =	sne.s32 s2, $0x0;
	_ =	strace $0x90000047  }
0x75: {  	s0 =	sadd.s32 @!p0 $0x100000, s0;
	[bflag:$0x2] =	sbarrier.arrive $0xFFFF  }
0x76: {  	[sflag:s0] =	ssyncadd.tile.s32 @!p0 $0x1;
	_ =	shalt  }
.Lfunc_end2:
_tile_overlayer_lowered:
.L_overlay_start_2:
0x77: {  	(tag) =	ssettag $0x2  }
0x78: {  	s0 =	rddreg [dreg:$0x0];
	s2 =	stileid.u32  }
0x79: {  	s1 =	rddreg [dreg:$0x1];
	p0 =	sne.s32 s2, $0x0  }
0x7a: {  	s3 =	rddreg [dreg:$0x2];
	[bflag:$0x3] =	sbarrier.arrive $0xFFFF;
	s2 =	simm.s32 @!p0 $0x1C03  }
0x7b: {  	[timem:s3], [sflag:s2] =	dma.local @!p0 [hbm:s0], s1  }
0x7c: {  	s0 =	simm.s32 @!p0 $0x3  }
0x7d: {  	_ =	swait.ge @!p0 [sflag:s0], s1  }
0x7e: {  	s1 =	ssub.s32 @!p0 $0x0, s1;
	[sflag:s0] =	ssyncset.done @!p0 $0x0  }
0x7f: {  	[sflag:s0] =	ssyncadd.s32 @!p0 s1  }
0x80: {  	[bflag:$0x3] =	sbarrier.arrive $0xFFFF  }
0x81: {  	_ =	shalt  }

// kernel: kernel.9.cloned.1.call-start
scs
__scs_entry_jumppad:
0x0: {  	(pc) =	sbr.rel $0x88, $3  }
0x1: {  	(tag) =	ssettag $0x0;
	lr =	simm.s32 $0x1  }
0x2: {  	[smem:$0x3F9D] =	sst lr;
	_ =	strace $0xD0000000  }
0x3: {  	_ = 	snop  }
0x4: {  	_ = 	snop  }
0x5: {  	_ = 	snop  }
0x6: {  	_ = 	snop  }
0x7: {  	_ = 	snop  }
__scs_overlays_trampoline_lowered:
0x8: {  	[smem:$0x3FAC] =	sst s0  }
0x9: {  	[smem:$0x3FAD] =	sst s1  }
0xa: {  	[smem:$0x3FAE] =	sst s2  }
0xb: {  	[smem:$0x3FAF] =	sst s3  }
0xc: {  	[smem:$0x3FB0] =	sst s4  }
0xd: {  	[smem:$0x3FB1] =	sst s5  }
0xe: {  	[smem:$0x3FB2] =	sst s6  }
0xf: {  	[smem:$0x3FB3] =	sst s7  }
0x10: {  	[smem:$0x3FB4] =	sst s8  }
0x11: {  	[smem:$0x3FB5] =	sst s9;
	s0 =	simm.s32 @!p0 $0x0  }
0x12: {  	s1 =	sld [smem:$0x3F9B];
	s0 =	simm.s32 @p0 $0x1  }
0x13: {  	[smem:$0x3FB6] =	sst s0;
	s0 =	simm.s32 @!p1 $0x0  }
0x14: {  	s2 =	sld [smem:$0x3F9A];
	s0 =	simm.s32 @p1 $0x1  }
0x15: {  	[smem:$0x3FB7] =	sst s0;
	s0 =	simm.s32 @!p2 $0x0  }
0x16: {  	s3 =	sld [smem:$0x3FDB];
	s0 =	simm.s32 @p2 $0x1  }
0x17: {  	s4 =	simm.s32 $0x1BF5;
	[smem:$0x3FB9] =	sst s0  }
0x18: {  	s0 =	sld [smem:$0x3F9C];
	_ =	swait.ge [sflag:s4], $0x0  }
0x19: {  	s7 =	sld [smem:$0x3F9D]  }
0x1a: {  	s8 =	sadd.s32 $0xFFFFE003, lr  }
0x1b: {  	s9 =	sadd.s32 $0xFFFFFEF7, lr;
	s5 =	simm.s32 $0xFFFFFFFF;
	p2 =	slt.u32 s8, $0xFFFFF086  }
0x1c: {  	p1 =	slt.u32 s9, $0xF7A;
	s5 =	simm.s32 @!p2 $0x0  }
0x1d: {  	s5 =	simm.s32 @p1 $0x1;
	p0 =	seq.s32 s7, s2  }
0x1e: {  	s7 =	smul.u32 @!p0 $0xF7A, s2;
	p2 =	seq.s32 @!p0 s5, $0x0  }
0x1f: {  	s9 =	smul.u32 $0xF7A, s1;
	s8 =	simm.s32 @!p0 $0x1BF5;
	p2 =	por !p2, p0  }
0x20: {  	[sflag:s8] =	ssyncset.s32 @!p0 $0xFFFFF086;
	s6 =	sadd.s32 @!p0 s3, s7;
	s7 =	simm.s32 @!p0 $0x108  }
0x21: {  	s3 =	sadd.s32 s3, s9;
	s6 =	sadd.s32 @!p0 $0x88, s6;
	s7 =	simm.s32 @p2 $0x1082  }
0x22: {  	[simem:s7], [sflag:s8] =	dma.local @!p0 [hbm:s6], $0xF7A  }
0x23: {  	s9 =	sor.u32 $0xD0000000, s2;
	s6 =	simm.s32 $0x108;
	_ =	swait.ge @!p0 [sflag:s8], $0x0  }
0x24: {  	s3 =	sadd.s32 $0x88, s3;
	s6 =	simm.s32 @!p1 $0x1082;
	[sflag:s4] =	ssyncset.s32 $0xFFFFF086  }
0x25: {  	[simem:s6], [sflag:s4] =	dma.local [hbm:s3], $0xF7A  }
0x26: {  	[smem:$0x3F9D] =	sst s1;
	(tag) =	ssettag s2;
	_ =	strace s9  }
0x27: {  	s1 =	sld [smem:$0x3FAD]  }
0x28: {  	s2 =	sld [smem:$0x3FAE]  }
0x29: {  	s4 =	sld [smem:$0x3FB0]  }
0x2a: {  	p0 =	seq.s32 s5, $0x0;
	s5 =	sld [smem:$0x3FB1]  }
0x2b: {  	s6 =	sld [smem:$0x3FB2]  }
0x2c: {  	s7 =	sld [smem:$0x3FB3]  }
0x2d: {  	s3 =	simm.s32 $0x108;
	s8 =	sld [smem:$0x3FB4]  }
0x2e: {  	s3 =	simm.s32 @!p0 $0x1082;
	s9 =	sld [smem:$0x3FB5]  }
0x2f: {  	lr =	sadd.s32 s0, s3;
	s0 =	sld [smem:$0x3FAC]  }
0x30: {  	s3 =	sld [smem:$0x3FAF]  }
0x31: {  	[smem:$0x3FB8] =	sst s10  }
0x32: {  	s10 =	sld [smem:$0x3FB6];
	_ =	sdelay $0x3  }
0x33: {  	p0 =	seq.s32 s10, $0x1;
	s10 =	sld [smem:$0x3FB8];
	_ =	sdelay $0x3  }
0x34: {  	[smem:$0x3FB8] =	sst s10  }
0x35: {  	s10 =	sld [smem:$0x3FB7];
	_ =	sdelay $0x3  }
0x36: {  	p1 =	seq.s32 s10, $0x1;
	s10 =	sld [smem:$0x3FB8];
	_ =	sdelay $0x3  }
0x37: {  	[smem:$0x3FB8] =	sst s10  }
0x38: {  	s10 =	sld [smem:$0x3FB9]  }
0x39: {  	_ = 	snop;
	(pc) =	sbr.ind lr, $3  }
0x3a: {  	_ = 	snop  }
0x3b: {  	_ = 	snop  }
0x3c: {  	p2 =	seq.s32 s10, $0x1;
	s10 =	sld [smem:$0x3FB8]  }
0x3d: {  	_ =	shalt  }
0x3e: {  	_ =	shalt  }
0x3f: {  	_ =	shalt  }
0x40: {  	_ =	shalt  }
0x41: {  	_ =	shalt  }
0x42: {  	_ =	shalt  }
0x43: {  	_ =	shalt  }
0x44: {  	_ =	shalt  }
0x45: {  	_ =	shalt  }
0x46: {  	_ =	shalt  }
0x47: {  	_ =	shalt  }
0x48: {  	_ =	shalt  }
0x49: {  	_ =	shalt  }
0x4a: {  	_ =	shalt  }
0x4b: {  	_ =	shalt  }
0x4c: {  	_ =	shalt  }
0x4d: {  	_ =	shalt  }
0x4e: {  	_ =	shalt  }
0x4f: {  	_ =	shalt  }
0x50: {  	_ =	shalt  }
0x51: {  	_ =	shalt  }
0x52: {  	_ =	shalt  }
0x53: {  	_ =	shalt  }
0x54: {  	_ =	shalt  }
0x55: {  	_ =	shalt  }
0x56: {  	_ =	shalt  }
0x57: {  	_ =	shalt  }
0x58: {  	_ =	shalt  }
0x59: {  	_ =	shalt  }
0x5a: {  	_ =	shalt  }
0x5b: {  	_ =	shalt  }
0x5c: {  	_ =	shalt  }
0x5d: {  	_ =	shalt  }
0x5e: {  	_ =	shalt  }
0x5f: {  	_ =	shalt  }
0x60: {  	_ =	shalt  }
0x61: {  	_ =	shalt  }
0x62: {  	_ =	shalt  }
0x63: {  	_ =	shalt  }
0x64: {  	_ =	shalt  }
0x65: {  	_ =	shalt  }
0x66: {  	_ =	shalt  }
0x67: {  	_ =	shalt  }
0x68: {  	_ =	shalt  }
0x69: {  	_ =	shalt  }
0x6a: {  	_ =	shalt  }
0x6b: {  	_ =	shalt  }
0x6c: {  	_ =	shalt  }
0x6d: {  	_ =	shalt  }
0x6e: {  	_ =	shalt  }
0x6f: {  	_ =	shalt  }
0x70: {  	_ =	shalt  }
0x71: {  	_ =	shalt  }
0x72: {  	_ =	shalt  }
0x73: {  	_ =	shalt  }
0x74: {  	_ =	shalt  }
0x75: {  	_ =	shalt  }
0x76: {  	_ =	shalt  }
0x77: {  	_ =	shalt  }
0x78: {  	_ =	shalt  }
0x79: {  	_ =	shalt  }
0x7a: {  	_ =	shalt  }
0x7b: {  	_ =	shalt  }
0x7c: {  	_ =	shalt  }
0x7d: {  	_ =	shalt  }
0x7e: {  	_ =	shalt  }
0x7f: {  	_ =	shalt  }
0x80: {  	_ =	shalt  }
0x81: {  	_ =	shalt  }
0x82: {  	_ =	shalt  }
0x83: {  	_ =	shalt  }
0x84: {  	_ =	shalt  }
0x85: {  	_ =	shalt  }
0x86: {  	_ =	shalt  }
0x87: {  	_ =	shalt  }
.Lfunc_end0:
.L_simem_size_0:
called_computation.1_lowered:
.L_overlay_start_0:
0x88: {  	s2 =	sld [smem:$0x3FD9]  }
0x89: {  	s3 =	sld [smem:$0x3FFE];
	_ =	sdelay $0x1  }
0x8a: {  	s1 =	srdreg.scid  }
0x8b: {  	s0 =	sand.u32 $0x1, s1  }
0x8c: {  	s17 =	sshll.u32 s0, $0xA;
	s2 =	sadd.s32 s3, s2  }
0x8d: {  	s2 =	sadd.s32 s2, s17  }
0x8e: {  	[smem:$0x3FC4] =	sst s2  }
0x8f: {  	_ = 	snop  }
0x90: {  	s2 =	sld [smem:$0x3FD0];
	(tm) =	ssettm $0x1  }
0x91: {  	s18 =	sld [smem:$0x3FFB];
	_ =	sdelay $0x3  }
0x92: {  	_ =	strace s18  }
0x93: {  	s3 =	sld [smem:$0x3FFC];
	_ =	sdelay $0x3  }
0x94: {  	_ =	strace s3  }
0x95: {  	s3 =	sld [smem:$0x3FFD];
	_ =	sdelay $0x3  }
0x96: {  	_ =	strace s3  }
0x97: {  	_ =	strace $0x8FFFFFFF  }
0x98: {  	s19 =	sld [smem:$0x3FDB];
	_ =	sdelay $0x1  }
0x99: {  	s4 =	simm.s32 $_scs_section_size  }
0x9a: {  	s5 =	simm.s32 $_size__tile_overlayer_lowered;
	s6 =	simm.s32 $_tile_overlayer_lowered  }
0x9b: {  	s22 =	simm.s32 $0x1BFF;
	s21 =	sshll.u32 s6, $0x1;
	s3 =	sadd.s32 s4, s19  }
0x9c: {  	s7 =	simm.s32 $0x0;
	s20 =	sshll.u32 s5, $0x1;
	s5 =	sadd.s32 s21, s3  }
0x9d: {  	[timem:s7], [sflag:s22] =	dma.local [hbm:s5], s20  }
0x9e: {  	_ =	swait.ge [sflag:s22], s20  }
0x9f: {  	s4 =	ssub.s32 $0x0, s20;
	[sflag:s22] =	ssyncset.done $0x0  }
0xa0: {  	[sflag:s22] =	ssyncadd.s32 s4;
	_ =	sdelay $0x1  }
0xa1: {  	s23 =	simm.s32 $0x1B8B  }
0xa2: {  	_ =	swait.ge [sflag:s23], $0x1  }
0xa3: {  	[sflag:s23] =	ssyncset.done $0x0  }
0xa4: {  	s25 =	simm.s32 $0x1B8E;
	s24 =	sld [smem:$0x3FFE];
	[sflag:s23] =	ssyncadd.s32 $0xFFFFFFFF  }
0xa5: {  	s26 =	simm.s32 $execute0_lowered;
	[smem:$0x3FD2] =	sst s25  }
0xa6: {  	s5 =	sshll.u32 s26, $0x1;
	_ =	strace $0x80000049;
	[dreg:$0x1] =	wrdreg $0xFFFFFFFF  }
0xa7: {  	s28 =	simm.s32 $_size_execute0_lowered;
	s3 =	sadd.s32 s3, s5;
	[dreg:$0x0] =	wrdreg $0x0  }
0xa8: {  	s5 =	sshll.u32 s28, $0x1;
	[dreg:$0x2] =	wrdreg s3  }
0xa9: {  	[dreg:$0x3] =	wrdreg s5  }
0xaa: {  	[dreg:$0x4] =	wrdreg $0xC0  }
0xab: {  	_ =	task [dreg:s7], $0x5FFFF  }
0xac: {  	[dreg:$0x1] =	wrdreg $0xFFFFFFFF  }
0xad: {  	[dreg:$0x0] =	wrdreg $0x60  }
0xae: {  	[dreg:$0x2] =	wrdreg s24  }
0xaf: {  	[dreg:$0x3] =	wrdreg s2  }
0xb0: {  	[dreg:$0x4] =	wrdreg $0x0  }
0xb1: {  	[dreg:$0x5] =	wrdreg $0x9  }
0xb2: {  	_ =	task.clear_ibuf [dreg:s7], $0x6FFFF;
	_ =	strace $0x90000049  }
0xb3: {  	s29 =	simm.s32 $0x9;
	_ =	strace $0x8000004B  }
0xb4: {  	_ =	swait.ge [sflag:s29], $0x1  }
0xb5: {  	[sflag:s29] =	ssyncadd.s32 $0xFFFFFFFF  }
0xb6: {  	_ =	strace $0x9000004B  }
0xb7: {  	_ =	sfence  }
0xb8: {  	s30 =	sld [smem:$0x0];
	_ =	sdelay $0x2  }
0xb9: {  	s31 =	sshll.u32 s1, $0xD;
	s1 =	sshrl.u32 s1, $0x2  }
0xba: {  	s3 =	sand.u32 $0x4000, s31;
	s1 =	sadd.s32 s1, s30  }
0xbb: {  	s0 =	sor.u32 s3, s0;
	s1 =	sshll.u32 s1, $0x11  }
0xbc: {  	s0 =	sor.u32 s1, s0  }
0xbd: {  	s0 =	sadd.s32 $0x8F2B, s0  }
0xbe: {  	[sflag:s0] =	ssyncadd.remote.s32 $0x1  }
0xbf: {  	_ =	sfence.sel $0xFFFF  }
0xc0: {  	[dreg:$0x0] =	wrdreg $0xFFFFFFFF;
	(pc) =	sbr.abs _section_cstart, $3  }
0xc1: {  	[dreg:$0x1] =	wrdreg $0xFFFFFFFF  }
0xc2: {  	_ =	task.clear_ibuf [dreg:s7], $0x2FFFF;
	_ =	strace $0x9FFFFFFF  }
0xc3: {  	(tm) =	ssettm $0x7FFFFFFF  }
tec
execute0_lowered:
.L_overlay_start_1:
0x0: {  	(tag) =	ssettag $0x1  }
0x1: {  	s0 =	srdreg.scid;
	s1 =	rddreg [dreg:$0x0]  }
0x2: {  	s6 =	stileid.u32;
	s2 =	rddreg [dreg:$0x1];
	s5 =	simm.s32 $0x0  }
0x3: {  	s18 =	simm.s32 $0x5;
	s19 =	simm.s32 $0x16900;
	s20 =	simm.s32 $0x16800  }
0x4: {  	s21 =	simm.s32 $0x80;
	s22 =	simm.s32 $0x16880;
	s23 =	simm.s32 $0x1A900  }
0x5: {  	s24 =	simm.s32 $0x1;
	s25 =	simm.s32 $0x3;
	s28 =	simm.s32 $0x4  }
0x6: {  	s31 =	simm.s32 $0x0;
	s0 =	sand.u32 $0x1, s0;
	s8 =	smul.u32 $0x14000, s6  }
0x7: {  	[smem:$0x7FF] =	sst s5;
	s9 =	smul.u32 $0x50000, s6;
	s3 =	sshll.u32 s0, $0x4  }
0x8: {  	s7 =	smul.u32 $0x140000, s0;
	s0 =	ssub.s32 $0x2, s0;
	s4 =	sor.u32 s6, s3  }
0x9: {  	s3 =	rddreg [dreg:$0x2];
	_ =	strace $0x8000004A;
	s4 =	smul.u32 $0x2800, s4  }
0xa: {  	s6 =	sadd.s32 $0xB200, s1;
	s26 =	sshrl.u32 s9, $0x2;
	s29 =	sshrl.u32 s0, $0x1  }
0xb: {  	s7 =	sadd.s32 s8, s7;
	s0 =	ssub.s32 s0, s29;
	s12 =	sshrl.u32 s4, $0x3  }
0xc: {  	s7 =	sshrl.u32 s7, $0x3;
	s16 =	smax.u32 s0, $0x1;
	s10 =	sadd.s32 s12, s1  }
0xd: {  	s1 =	sadd.s32 s7, s1;
	s7 =	sadd.s32 s26, s3;
	s12 =	sadd.s32 s2, s12  }
0xe: {  	s26 =	simm.s32 $0x2;
	s30 =	sadd.s32 $0x1200, s10;
	s9 =	sadd.s32 $0x4000, s7  }
0xf: {  	s10 =	sadd.s32 $0x8000, s7;
	s11 =	sadd.s32 $0xC000, s7;
	s13 =	sadd.s32 $0x10000, s7  }
0x10: {  	v0 =	vimm.f32 $0.0e+00;
	s14 =	sadd.s32 $0x10, s12;
	s15 =	sadd.s32 $0x33200, s1;
	[dreg:$0x4] =	wrdreg s30  }
.LBB2_1:
0x11: {  	s0 =	rddreg [dreg:$0x4];
	s1 =	simm.s32 $0x14000  }
0x12: {  	[tilespmem:s1], [sflag:$0x5] =	stream.linear.gather [hbm4b:s0+s5], $0x2800, $0x38;
	[tilespmem:$0x1E900] =	vst v63  }
0x13: {  	_ =	swait.ge [sflag:s18], $0x2800  }
0x14: {  	[sflag:s18] =	ssyncset.done $0x0  }
0x15: {  	s0 =	simm.s32 $0x0;
	s1 =	simm.s32 $0x200;
	[sflag:s18] =	ssyncadd.s32 $0xFFFFD800  }
.LBB2_2:
0x16: {  	p0 =	sne.s32 s1, $0xFE00;
	[tilespmem:s0+$0x16970] =	vst v0  }
0x17: {  	[tilespmem:s0+$0x16900] =	vst v0  }
0x18: {  	[tilespmem:s0+$0x16910] =	vst v0  }
.Ltmp0:
0x19: {  	[tilespmem:s0+$0x16920] =	vst v0;
	(pc) =	sbr.rel @p0 .LBB2_2-.Ltmp0, $4  }
0x1a: {  	[tilespmem:s0+$0x16930] =	vst v0  }
0x1b: {  	[tilespmem:s0+$0x16940] =	vst v0  }
0x1c: {  	[tilespmem:s0+$0x16950] =	vst v0  }
0x1d: {  	[tilespmem:s0+$0x16960] =	vst v0;
	s0 =	sshra.s32 s1, $0x2;
	s1 =	sadd.s32 $0x200, s1  }
0x1e: {  	[tilespmem:s0+$0x16970] =	vst v0  }
0x1f: {  	[tilespmem:s0+$0x16900] =	vst v0  }
0x20: {  	[tilespmem:s0+$0x16910] =	vst v0  }
0x21: {  	[tilespmem:s0+$0x16920] =	vst v0  }
0x22: {  	[tilespmem:s0+$0x16930] =	vst v0  }
0x23: {  	[tilespmem:s0+$0x16940] =	vst v0  }
0x24: {  	[tilespmem:s0+$0x16950] =	vst v0  }
0x25: {  	[tilespmem:s0+$0x16960] =	vst v0  }
0x26: {  	[spmem:s7] =	stream.linear.scatter [tilespmem:s19], [sflag:$0x5], $0x4000, $0x38;
	[tilespmem:$0x1E900] =	vst v63  }
0x27: {  	_ =	swait.ge [sflag:s18], $0x4000  }
0x28: {  	[sflag:s18] =	ssyncset.done $0x0  }
0x29: {  	[sflag:s18] =	ssyncadd.s32 $0xFFFFC000  }
0x2a: {  	[spmem:s9] =	stream.linear.scatter [tilespmem:s19], [sflag:$0x5], $0x4000, $0x38;
	[tilespmem:$0x1E900] =	vst v63  }
0x2b: {  	_ =	swait.ge [sflag:s18], $0x4000  }
0x2c: {  	[sflag:s18] =	ssyncset.done $0x0  }
0x2d: {  	[sflag:s18] =	ssyncadd.s32 $0xFFFFC000  }
0x2e: {  	[spmem:s10] =	stream.linear.scatter [tilespmem:s19], [sflag:$0x5], $0x4000, $0x38;
	[tilespmem:$0x1E900] =	vst v63  }
0x2f: {  	_ =	swait.ge [sflag:s18], $0x4000  }
0x30: {  	[sflag:s18] =	ssyncset.done $0x0  }
0x31: {  	[sflag:s18] =	ssyncadd.s32 $0xFFFFC000  }
0x32: {  	[spmem:s11] =	stream.linear.scatter [tilespmem:s19], [sflag:$0x5], $0x4000, $0x38;
	[tilespmem:$0x1E900] =	vst v63  }
0x33: {  	_ =	swait.ge [sflag:s18], $0x4000  }
0x34: {  	[sflag:s18] =	ssyncset.done $0x0  }
0x35: {  	[sflag:s18] =	ssyncadd.s32 $0xFFFFC000  }
0x36: {  	[spmem:s13] =	stream.linear.scatter [tilespmem:s19], [sflag:$0x5], $0x4000, $0x38;
	[tilespmem:$0x1E900] =	vst v63  }
0x37: {  	_ =	swait.ge [sflag:s18], $0x4000  }
0x38: {  	[sflag:s18] =	ssyncset.done $0x0  }
0x39: {  	[sflag:s18] =	ssyncadd.s32 $0xFFFFC000  }
0x3a: {  	[tilespmem:s20], [sflag:$0x5] =	stream.linear.gather [hbm4b:s12+s5], $0x80, $0x38;
	[tilespmem:$0x1E900] =	vst v63  }
0x3b: {  	_ =	swait.ge [sflag:s18], $0x80  }
0x3c: {  	[sflag:s18] =	ssyncset.done $0x0  }
0x3d: {  	[sflag:s18] =	ssyncadd.s32 $0xFFFFFF80  }
0x3e: {  	[tilespmem:s19], [sflag:$0x1] =	stream.indirect.gather [hbm4b:s6+s21], $0x80, s20, s21, $0xb8;
	[tilespmem:$0x1E900] =	vst v63  }
0x3f: {  	_ = 	snop  }
0x40: {  	[tilespmem:s22], [sflag:$0x5] =	stream.linear.gather [hbm4b:s14+s5], $0x80, $0x38;
	[tilespmem:$0x1E900] =	vst v63  }
0x41: {  	_ =	swait.ge [sflag:s18], $0x80  }
0x42: {  	[sflag:s18] =	ssyncset.done $0x0  }
0x43: {  	[sflag:s18] =	ssyncadd.s32 $0xFFFFFF80  }
0x44: {  	[tilespmem:s23], [sflag:$0x2] =	stream.indirect.gather [hbm4b:s6+s21], $0x80, s22, s21, $0xb8;
	[tilespmem:$0x1E900] =	vst v63  }
0x45: {  	[bflag:$0x0] =	sbarrier.arrive $0xFFFF  }
0x46: {  	s8 =	simm.s32 $0x100;
	_ =	swait.ge [sflag:s24], $0x4000  }
0x47: {  	s1 =	simm.s32 $0x14000;
	s17 =	sand.u32 $0x7C00, s8;
	[sflag:s24] =	ssyncset.done $0x0  }
0x48: {  	s0 =	sand.u32 $0x300, s8;
	s17 =	sadd.s32 s4, s17;
	[sflag:s24] =	ssyncadd.s32 $0xFFFFC000  }
0x49: {  	[spmem:s3] =	stream.indirect.scatter.add.f32 [tilespmem:s19], [sflag:$0x3], $0x80, s1, s21, $0xb8;
	[tilespmem:$0x1E900] =	vst v63  }
0x4a: {  	s0 =	sor.u32 s0, s17;
	_ =	swait.ge [sflag:s25], $0x4000  }
0x4b: {  	s0 =	sshrl.u32 s0, $0x3;
	[sflag:s25] =	ssyncset.done $0x0  }
0x4c: {  	s0 =	sadd.s32 s2, s0;
	[sflag:s25] =	ssyncadd.s32 $0xFFFFC000  }
0x4d: {  	[tilespmem:s20], [sflag:$0x5] =	stream.linear.gather [hbm4b:s0+s5], $0x80, $0x38;
	[tilespmem:$0x1E900] =	vst v63  }
0x4e: {  	_ =	swait.ge [sflag:s18], $0x80  }
0x4f: {  	[sflag:s18] =	ssyncset.done $0x0  }
0x50: {  	s29 =	simm.s32 $0x180;
	[sflag:s18] =	ssyncadd.s32 $0xFFFFFF80  }
0x51: {  	[tilespmem:s19], [sflag:$0x1] =	stream.indirect.gather [hbm4b:s6+s21], $0x80, s20, s21, $0xb8;
	[tilespmem:$0x1E900] =	vst v63  }
0x52: {  	s30 =	sand.u32 $0x7C00, s29;
	_ =	swait.ge [sflag:s26], $0x4000  }
0x53: {  	s17 =	sadd.s32 s4, s30;
	[sflag:s26] =	ssyncset.done $0x0  }
0x54: {  	s1 =	simm.s32 $0x14080;
	s0 =	sand.u32 $0x380, s29;
	[sflag:s26] =	ssyncadd.s32 $0xFFFFC000  }
0x55: {  	[spmem:s3] =	stream.indirect.scatter.add.f32 [tilespmem:s23], [sflag:$0x4], $0x80, s1, s21, $0xb8;
	[tilespmem:$0x1E900] =	vst v63  }
0x56: {  	s0 =	sor.u32 s0, s17;
	_ =	swait.ge [sflag:s28], $0x4000  }
0x57: {  	s0 =	sshrl.u32 s0, $0x3;
	[sflag:s28] =	ssyncset.done $0x0  }
0x58: {  	s0 =	sadd.s32 s2, s0;
	[sflag:s28] =	ssyncadd.s32 $0xFFFFC000  }
0x59: {  	[tilespmem:s22], [sflag:$0x5] =	stream.linear.gather [hbm4b:s0+s5], $0x80, $0x38;
	[tilespmem:$0x1E900] =	vst v63  }
0x5a: {  	_ =	swait.ge [sflag:s18], $0x80  }
0x5b: {  	s0 =	simm.s32 $0x280;
	[sflag:s18] =	ssyncset.done $0x0  }
.LBB2_4:
0x5c: {  	p0 =	sne.s32 s0, $0x2780  }
0x5d: {  	[sflag:s18] =	ssyncadd.s32 $0xFFFFFF80;
	s1 =	sadd.s32 $0x100, s1;
	s17 =	smov.u32 s0  }
0x5e: {  	[tilespmem:s23], [sflag:$0x2] =	stream.indirect.gather [hbm4b:s6+s21], $0x80, s22, s21, $0xb8;
	[tilespmem:$0x1E900] =	vst v63  }
0x5f: {  	s30 =	sadd.s32 $0xFFFFFF80, s0;
	s29 =	sadd.s32 $0xFFFFFF80, s1;
	_ =	swait.ge [sflag:s24], $0x4000  }
0x60: {  	s8 =	sand.u32 $0x7C00, s30;
	s30 =	sand.u32 $0x300, s30;
	[sflag:s24] =	ssyncset.done $0x0  }
0x61: {  	s0 =	sadd.s32 $0x100, s0;
	s8 =	sadd.s32 s4, s8;
	[sflag:s24] =	ssyncadd.s32 $0xFFFFC000  }
0x62: {  	[spmem:s3] =	stream.indirect.scatter.add.f32 [tilespmem:s19], [sflag:$0x3], $0x80, s29, s21, $0xb8;
	[tilespmem:$0x1E900] =	vst v63  }
0x63: {  	s8 =	sor.u32 s30, s8;
	_ =	swait.ge [sflag:s25], $0x4000  }
0x64: {  	s8 =	sshrl.u32 s8, $0x3;
	[sflag:s25] =	ssyncset.done $0x0  }
0x65: {  	s8 =	sadd.s32 s2, s8;
	[sflag:s25] =	ssyncadd.s32 $0xFFFFC000  }
0x66: {  	[tilespmem:s20], [sflag:$0x5] =	stream.linear.gather [hbm4b:s8+s5], $0x80, $0x38;
	[tilespmem:$0x1E900] =	vst v63  }
0x67: {  	_ =	swait.ge [sflag:s18], $0x80  }
0x68: {  	[sflag:s18] =	ssyncset.done $0x0  }
0x69: {  	[sflag:s18] =	ssyncadd.s32 $0xFFFFFF80  }
0x6a: {  	[tilespmem:s19], [sflag:$0x1] =	stream.indirect.gather [hbm4b:s6+s21], $0x80, s20, s21, $0xb8;
	[tilespmem:$0x1E900] =	vst v63  }
0x6b: {  	_ =	swait.ge [sflag:s26], $0x4000  }
0x6c: {  	s8 =	sand.u32 $0x7C00, s17;
	[sflag:s26] =	ssyncset.done $0x0  }
0x6d: {  	s17 =	sand.u32 $0x380, s17;
	s8 =	sadd.s32 s4, s8;
	[sflag:s26] =	ssyncadd.s32 $0xFFFFC000  }
0x6e: {  	[spmem:s3] =	stream.indirect.scatter.add.f32 [tilespmem:s23], [sflag:$0x4], $0x80, s1, s21, $0xb8;
	[tilespmem:$0x1E900] =	vst v63  }
0x6f: {  	s8 =	sor.u32 s17, s8;
	_ =	swait.ge [sflag:s28], $0x4000  }
.Ltmp1:
0x70: {  	s8 =	sshrl.u32 s8, $0x3;
	[sflag:s28] =	ssyncset.done $0x0;
	(pc) =	sbr.rel @p0 .LBB2_4-.Ltmp1, $4  }
0x71: {  	s8 =	sadd.s32 s2, s8;
	[sflag:s28] =	ssyncadd.s32 $0xFFFFC000  }
0x72: {  	[tilespmem:s22], [sflag:$0x5] =	stream.linear.gather [hbm4b:s8+s5], $0x80, $0x38;
	[tilespmem:$0x1E900] =	vst v63  }
0x73: {  	_ =	swait.ge [sflag:s18], $0x80  }
0x74: {  	[sflag:s18] =	ssyncset.done $0x0  }
0x75: {  	[sflag:s18] =	ssyncadd.s32 $0xFFFFFF80  }
0x76: {  	[tilespmem:s23], [sflag:$0x2] =	stream.indirect.gather [hbm4b:s6+s21], $0x80, s22, s21, $0xb8;
	[tilespmem:$0x1E900] =	vst v63  }
0x77: {  	_ =	swait.ge [sflag:s24], $0x4000  }
0x78: {  	[sflag:s24] =	ssyncset.done $0x0  }
0x79: {  	s0 =	simm.s32 $0x16700;
	[sflag:s24] =	ssyncadd.s32 $0xFFFFC000  }
0x7a: {  	[spmem:s3] =	stream.indirect.scatter.add.f32 [tilespmem:s19], [sflag:$0x3], $0x80, s0, s21, $0xb8;
	[tilespmem:$0x1E900] =	vst v63  }
0x7b: {  	_ =	swait.ge [sflag:s25], $0x4000  }
0x7c: {  	[sflag:s25] =	ssyncset.done $0x0  }
0x7d: {  	[sflag:s25] =	ssyncadd.s32 $0xFFFFC000  }
0x7e: {  	_ =	swait.ge [sflag:s26], $0x4000  }
0x7f: {  	[sflag:s26] =	ssyncset.done $0x0  }
0x80: {  	s29 =	simm.s32 $0x16780;
	[sflag:s26] =	ssyncadd.s32 $0xFFFFC000  }
0x81: {  	[spmem:s3] =	stream.indirect.scatter.add.f32 [tilespmem:s23], [sflag:$0x4], $0x80, s29, s21, $0xb8;
	[tilespmem:$0x1E900] =	vst v63  }
0x82: {  	s30 =	stileid.u32;
	_ =	swait.ge [sflag:s28], $0x4000  }
0x83: {  	s1 =	sshrl.u32 s7, $0x3;
	s31 =	sadd.s32 $0x1, s31;
	[sflag:s28] =	ssyncset.done $0x0  }
0x84: {  	p0 =	sne.s32 s31, s16;
	s0 =	sshll.u32 s30, $0x6;
	[sflag:s28] =	ssyncadd.s32 $0xFFFFC000  }
.Ltmp2:
0x85: {  	s0 =	sor.u32 $0x1C05, s0;
	[bflag:$0x0] =	sbarrier.arrive $0xFFFF;
	(pc) =	sbr.rel @p0 .LBB2_1-.Ltmp2, $4  }
0x86: {  	[hbm:s15], [sflag:s0] =	dma.local [spmem:s1], $0x2800  }
0x87: {  	_ =	swait.ge [sflag:s18], $0x2800  }
0x88: {  	[sflag:s18] =	ssyncset.done $0x0  }
0x89: {  	[sflag:s18] =	ssyncadd.s32 $0xFFFFD800  }
0x8a: {  	_ =	sfence.sel $0x180000  }
0x8b: {  	[bflag:$0x0] =	sbarrier.arrive $0xFFFF  }
0x8c: {  	_ =	strace $0x9000004A  }
0x8d: {  	s0 =	stileid.u32;
	[bflag:$0x2] =	sbarrier.arrive $0xFFFF  }
0x8e: {  	p0 =	sne.s32 s0, $0x0;
	s0 =	rddreg [dreg:$0x3]  }
0x8f: {  	s0 =	sadd.s32 @!p0 $0x100000, s0  }
0x90: {  	[sflag:s0] =	ssyncadd.tile.s32 @!p0 $0x1;
	_ =	shalt  }
.Lfunc_end2:
_tile_overlayer_lowered:
.L_overlay_start_2:
0x91: {  	(tag) =	ssettag $0x2  }
0x92: {  	s0 =	rddreg [dreg:$0x0];
	s2 =	stileid.u32  }
0x93: {  	s1 =	rddreg [dreg:$0x1];
	p0 =	sne.s32 s2, $0x0  }
0x94: {  	s3 =	rddreg [dreg:$0x2];
	[bflag:$0x3] =	sbarrier.arrive $0xFFFF;
	s2 =	simm.s32 @!p0 $0x1C05  }
0x95: {  	[timem:s3], [sflag:s2] =	dma.local @!p0 [hbm:s0], s1  }
0x96: {  	s0 =	simm.s32 @!p0 $0x5  }
0x97: {  	_ =	swait.ge @!p0 [sflag:s0], s1  }
0x98: {  	s1 =	ssub.s32 @!p0 $0x0, s1;
	[sflag:s0] =	ssyncset.done @!p0 $0x0  }
0x99: {  	[sflag:s0] =	ssyncadd.s32 @!p0 s1  }
0x9a: {  	[bflag:$0x3] =	sbarrier.arrive $0xFFFF  }
0x9b: {  	_ =	shalt  }

</sc_bundles>
